<compile_context>
chip_gen: v7x
topology: tpu7x:2x2x1
jax: 0.10.2.dev20260603
libtpu: 0.0.44.dev20260713+nightly
codegen_flags: <defaults>
</compile_context>

<pallas_src>
import functools

import jax
import jax.numpy as jnp
from jax import lax
from jax.experimental import pallas as pl
from jax.experimental.pallas import tpu as pltpu
from jax.experimental.pallas import tpu_sc as plsc

NUM = 100000
EMB_DIM = 64
MAX_NORM = 1.0
BATCH = 4096
SEQ = 200

_INFO = plsc.get_sparse_core_info()
_NW = _INFO.num_cores * _INFO.num_subcores

_SB = 256
_NSC = BATCH // _SB
_BHL = _SB // 128
_NBH = BATCH // 128


def _renorm_body(t_ref, o_ref):
    x = t_ref[...]
    ss = jnp.sum(x * x, axis=1, keepdims=True)
    norm = jnp.sqrt(ss)
    scale = jnp.where(norm > MAX_NORM, MAX_NORM / (norm + 1e-7), 1.0)
    o_ref[...] = x * scale


def _renorm(table, block_rows):
    rows = table.shape[0]
    return pl.pallas_call(
        _renorm_body,
        grid=(rows // block_rows,),
        in_specs=[pl.BlockSpec((block_rows, EMB_DIM), lambda i: (i, 0))],
        out_specs=pl.BlockSpec((block_rows, EMB_DIM), lambda i: (i, 0)),
        out_shape=jax.ShapeDtypeStruct((rows, EMB_DIM), jnp.float32),
    )(table)


def _sc_body(xt_hbm, tab_hbm, pos_hbm, out_hbm, idx_v, tok_v, wbuf_v, pos_v, sem):
    wid = lax.axis_index("c") * _INFO.num_subcores + lax.axis_index("s")
    s_start = wid * 6 + jnp.minimum(wid, 8)
    s_count = jnp.where(wid < 8, 7, 6)
    pltpu.sync_copy(pos_hbm, pos_v)

    def pos_body(p, carry):
        @pl.when(p < s_count)
        def _():
            s = s_start + p
            pltpu.sync_copy(xt_hbm.at[s], idx_v)
            sbase = s * EMB_DIM

            def sub_body(k, carry2):
                pltpu.async_copy(
                    tab_hbm.at[idx_v.at[pl.ds(k * _SB, _SB)]], tok_v, sem
                ).wait()

                def c_body(c, carry3):
                    pv = plsc.load_gather(
                        pos_v, [jnp.full((16,), sbase + c, jnp.int32)]
                    )
                    colidx = jnp.full((16,), c, jnp.int32)
                    ch = c >> 3
                    cl = c & 7
                    for j in range(_SB // 16):
                        rows = lax.iota(jnp.int32, 16) + (16 * j)
                        v = plsc.load_gather(tok_v, [rows, colidx])
                        wbuf_v[ch, j // 8, cl, pl.ds((j % 8) * 16, 16)] = v + pv
                    return carry3

                lax.fori_loop(0, EMB_DIM, c_body, 0)
                for ch in range(8):
                    pltpu.sync_copy(
                        wbuf_v.at[ch], out_hbm.at[s, ch, pl.ds(k * _BHL, _BHL)]
                    )
                return carry2

            lax.fori_loop(0, _NSC, sub_body, 0)

        return carry

    lax.fori_loop(0, 7, pos_body, 0)


_sc_lookup = functools.partial(
    pl.kernel,
    mesh=plsc.VectorSubcoreMesh(core_axis_name="c", subcore_axis_name="s"),
    out_type=jax.ShapeDtypeStruct((SEQ, 8, _NBH, 8, 128), jnp.float32),
    scratch_types=[
        pltpu.VMEM((BATCH,), jnp.int32),
        pltpu.VMEM((_SB, EMB_DIM), jnp.float32),
        pltpu.VMEM((8, _BHL, 8, 128), jnp.float32),
        pltpu.VMEM((SEQ * EMB_DIM,), jnp.float32),
        pltpu.SemaphoreType.DMA,
    ],
    compiler_params=pltpu.CompilerParams(
        use_tc_tiling_on_sc=False, needs_layout_passes=False
    ),
)(_sc_body)


def kernel(x, token_table, pos_table):
    scaled_tab = _renorm(token_table, 1000)
    scaled_pos = _renorm(lax.slice(pos_table, (0, 0), (SEQ, EMB_DIM)), SEQ)
    xt = jnp.transpose(x.astype(jnp.int32))
    out5 = _sc_lookup(xt, scaled_tab, scaled_pos.reshape(SEQ * EMB_DIM))
    return out5.transpose(2, 4, 0, 1, 3).reshape(BATCH, SEQ, EMB_DIM)

# --- scband reference (transcript-rebuilt; emitter-appended) ---
"""Pipeline reference for scband-embedding-layer-64132451664056 (READ-ONLY COPY).

The authoritative reference and input builder live on the scoring server;
editing this copy changes nothing except your own understanding.
"""

import jax, jax.numpy as jnp
import numpy as np

NUM = 100000
EMB_DIM = 64
MAX_NORM = 1.0
BATCH = 4096
SEQ = 200


def _renorm_lookup(table, idx, max_norm):
    # PyTorch nn.Embedding(max_norm=...) renormalizes looked-up rows whose
    # L2 norm exceeds max_norm: scale = max_norm / (norm + 1e-7).
    emb = jnp.take(table, idx, axis=0)
    norms = jnp.linalg.norm(emb, axis=-1, keepdims=True)
    scale = jnp.where(norms > max_norm, max_norm / (norms + 1e-7), 1.0)
    return emb * scale


def setup_inputs(seed: int = 0) -> dict:
    key = jax.random.key(seed)
    k1, k2, k3 = jax.random.split(key, 3)
    x = jax.random.randint(k1, (BATCH, SEQ), 0, NUM, dtype=jnp.int64)
    token_table = jax.random.normal(k2, (NUM, EMB_DIM), dtype=jnp.float32)
    token_table = token_table.at[0].set(0.0)  # padding_idx=0
    pos_table = jax.random.normal(k3, (NUM, EMB_DIM), dtype=jnp.float32)
    pos_table = pos_table.at[0].set(0.0)  # padding_idx=0
    return {"x": x, "token_table": token_table, "pos_table": pos_table}


def reference(x, token_table, pos_table):
    pos = jnp.arange(x.shape[-1], dtype=jnp.int32)
    emb_x = _renorm_lookup(token_table, x, MAX_NORM)
    emb_pos = _renorm_lookup(pos_table, pos, MAX_NORM)
    return emb_x + emb_pos

if __name__ == "__main__":
    import jax
    _d = setup_inputs()
    print(jax.jit(kernel)(*tuple(_d.values())))

</pallas_src>

<mosaic_0001>
#map = affine_map<(d0, d1) -> (0, 0)>
#map1 = affine_map<(d0, d1) -> (0)>
#map2 = affine_map<(d0, d1) -> (0, 0, 0, 0, 0)>
module attributes {stable_mosaic.version = 14 : i64} {
  func.func @_sc_body(%arg0: i32, %arg1: i32, %arg2: memref<200x4096xi32, #tpu.memory_space<hbm>>, %arg3: memref<100000x64xf32, #tpu.memory_space<hbm>>, %arg4: memref<12800xf32, #tpu.memory_space<hbm>>, %arg5: memref<200x8x32x8x128xf32, #tpu.memory_space<hbm>>, %arg6: memref<4096xi32, #tpu.memory_space<vmem>>, %arg7: memref<256x64xf32, #tpu.memory_space<vmem>>, %arg8: memref<8x2x8x128xf32, #tpu.memory_space<vmem>>, %arg9: memref<12800xf32, #tpu.memory_space<vmem>>, %arg10: memref<!tpu.dma_semaphore, #tpu.memory_space<semaphore_mem>>) attributes {dimension_semantics = [#tpu.dimension_semantics<core_parallel>, #tpu.dimension_semantics<subcore_parallel>], iteration_bounds = array<i64: 2, 16>, scalar_prefetch = 0 : i64, scratch_operands = 5 : i64, tpu.core_type = #tpu.core_type<sc_vector_subcore>, window_params = [{transform_indices = #map}, {transform_indices = #map}, {transform_indices = #map1}, {transform_indices = #map2}]} {
    %mul3A = arith.constant 16 : i32
    %mul3A_0 = arith.muli %arg0, %mul3A : i32
    %add3A = arith.addi %mul3A_0, %arg1 : i32
    %mul3A_1 = arith.constant 6 : i32
    %mul3A_2 = arith.muli %add3A, %mul3A_1 : i32
    %min3A = arith.constant 8 : i32
    %min3A_3 = arith.minsi %add3A, %min3A : i32
    %add3A_4 = arith.addi %mul3A_2, %min3A_3 : i32
    %lt3A = arith.constant 8 : i32
    %lt3A_5 = arith.cmpi slt, %add3A, %lt3A : i32
    %jit3A = arith.constant 7 : i32
    %jit3A_6 = arith.constant 6 : i32
    %select_n3A = arith.select %lt3A_5, %jit3A, %jit3A_6 : i32
    "tpu.region"() ({
      %run_scoped3A = tpu.sem_alloc : memref<!tpu.dma_semaphore, #tpu.memory_space<semaphore_mem>>
      tpu.enqueue_dma source(%arg4 : memref<12800xf32, #tpu.memory_space<hbm>>) target(%arg9 : memref<12800xf32, #tpu.memory_space<vmem>>) target_semaphore(%run_scoped3A : memref<!tpu.dma_semaphore, #tpu.memory_space<semaphore_mem>>)
      tpu.wait_dma2 semaphore(%run_scoped3A : memref<!tpu.dma_semaphore, #tpu.memory_space<semaphore_mem>>) src(%arg4 : memref<12800xf32, #tpu.memory_space<hbm>>) dst(%arg9 : memref<12800xf32, #tpu.memory_space<vmem>>)
      tpu.yield
    }) : () -> ()
    %scan3A = arith.constant 0 : i32
    %scan3A_7 = arith.constant 0 : i32
    %scan3A_8 = arith.constant 7 : i32
    %scan3A_9 = arith.addi %scan3A_7, %scan3A_8 : i32
    %scan3A_10 = arith.constant 1 : i32
    scf.for %scan3A_12 = %scan3A_7 to %scan3A_9 step %scan3A_10  : i32 {
      %lt3A_13 = arith.cmpi slt, %scan3A_12, %select_n3A : i32
      %convert_element_type3A = arith.extui %lt3A_13 : i1 to i32
      %cond3A = arith.constant 0 : i32
      %cond3A_14 = arith.cmpi ne, %convert_element_type3A, %cond3A : i32
      scf.if %cond3A_14 {
        %add3A_15 = arith.addi %add3A_4, %scan3A_12 : i32
        "tpu.region"() ({
          %run_scoped3A = tpu.sem_alloc : memref<!tpu.dma_semaphore, #tpu.memory_space<semaphore_mem>>
          %dma_start3A = arith.constant 0 : i32
          %dma_start3A_24 = tpu.memref_slice %arg2[%add3A_15, %dma_start3A] : memref<200x4096xi32, #tpu.memory_space<hbm>> -> memref<1x4096xi32, #tpu.memory_space<hbm>>
          %dma_start3A_25 = tpu.memref_squeeze %dma_start3A_24 : memref<1x4096xi32, #tpu.memory_space<hbm>> -> memref<4096xi32, #tpu.memory_space<hbm>>
          %dma_start3A_26 = arith.constant 0 : i32
          %dma_start3A_27 = tpu.memref_slice %arg2[%add3A_15, %dma_start3A_26] : memref<200x4096xi32, #tpu.memory_space<hbm>> -> memref<1x4096xi32, #tpu.memory_space<hbm>>
          %dma_start3A_28 = tpu.memref_squeeze %dma_start3A_27 : memref<1x4096xi32, #tpu.memory_space<hbm>> -> memref<4096xi32, #tpu.memory_space<hbm>>
          tpu.enqueue_dma source(%dma_start3A_28 : memref<4096xi32, #tpu.memory_space<hbm>>) target(%arg6 : memref<4096xi32, #tpu.memory_space<vmem>>) target_semaphore(%run_scoped3A : memref<!tpu.dma_semaphore, #tpu.memory_space<semaphore_mem>>)
          %dma_wait3A = arith.constant 0 : i32
          %dma_wait3A_29 = tpu.memref_slice %arg2[%add3A_15, %dma_wait3A] : memref<200x4096xi32, #tpu.memory_space<hbm>> -> memref<1x4096xi32, #tpu.memory_space<hbm>>
          %dma_wait3A_30 = tpu.memref_squeeze %dma_wait3A_29 : memref<1x4096xi32, #tpu.memory_space<hbm>> -> memref<4096xi32, #tpu.memory_space<hbm>>
          %dma_wait3A_31 = arith.constant 0 : i32
          %dma_wait3A_32 = tpu.memref_slice %arg2[%add3A_15, %dma_wait3A_31] : memref<200x4096xi32, #tpu.memory_space<hbm>> -> memref<1x4096xi32, #tpu.memory_space<hbm>>
          %dma_wait3A_33 = tpu.memref_squeeze %dma_wait3A_32 : memref<1x4096xi32, #tpu.memory_space<hbm>> -> memref<4096xi32, #tpu.memory_space<hbm>>
          tpu.wait_dma2 semaphore(%run_scoped3A : memref<!tpu.dma_semaphore, #tpu.memory_space<semaphore_mem>>) src(%dma_wait3A_33 : memref<4096xi32, #tpu.memory_space<hbm>>) dst(%arg6 : memref<4096xi32, #tpu.memory_space<vmem>>)
          tpu.yield
        }) : () -> ()
        %mul3A_16 = arith.constant 64 : i32
        %mul3A_17 = arith.muli %add3A_15, %mul3A_16 : i32
        %scan3A_18 = arith.constant 0 : i32
        %scan3A_19 = arith.constant 0 : i32
        %scan3A_20 = arith.constant 16 : i32
        %scan3A_21 = arith.addi %scan3A_19, %scan3A_20 : i32
        %scan3A_22 = arith.constant 1 : i32
        scf.for %scan3A_24 = %scan3A_19 to %scan3A_21 step %scan3A_22  : i32 {
          %mul3A_25 = arith.constant 256 : i32
          %mul3A_26 = arith.muli %scan3A_24, %mul3A_25 : i32
          %dma_start3A = tpu.memref_slice %arg6[%mul3A_26] : memref<4096xi32, #tpu.memory_space<vmem>> -> memref<256xi32, #tpu.memory_space<vmem>>
          %dma_start3A_27 = arith.constant 0 : i32
          %dma_start3A_28 = arith.constant 0 : i32
          %dma_start3A_29 = tpu.memref_slice %arg3[%dma_start3A_27, %dma_start3A_28] : memref<100000x64xf32, #tpu.memory_space<hbm>> -> memref<100000x64xf32, #tpu.memory_space<hbm>>
          tpu.enqueue_indirect_dma source(%dma_start3A_29 : memref<100000x64xf32, #tpu.memory_space<hbm>>) target(%arg7 : memref<256x64xf32, #tpu.memory_space<vmem>>) offsets(%dma_start3A : memref<256xi32, #tpu.memory_space<vmem>>) semaphore(%arg10 : memref<!tpu.dma_semaphore, #tpu.memory_space<semaphore_mem>>)
          %dma_wait3A = tpu.memref_slice %arg6[%mul3A_26] : memref<4096xi32, #tpu.memory_space<vmem>> -> memref<256xi32, #tpu.memory_space<vmem>>
          %dma_wait3A_30 = arith.constant 0 : i32
          %dma_wait3A_31 = arith.constant 0 : i32
          %dma_wait3A_32 = tpu.memref_slice %arg3[%dma_wait3A_30, %dma_wait3A_31] : memref<100000x64xf32, #tpu.memory_space<hbm>> -> memref<100000x64xf32, #tpu.memory_space<hbm>>
          tpu.wait_indirect_dma semaphore(%arg10 : memref<!tpu.dma_semaphore, #tpu.memory_space<semaphore_mem>>) src(%dma_wait3A_32 : memref<100000x64xf32, #tpu.memory_space<hbm>>) dst(%arg7 : memref<256x64xf32, #tpu.memory_space<vmem>>)
          %scan3A_33 = arith.constant 0 : i32
          %scan3A_34 = arith.constant 0 : i32
          %scan3A_35 = arith.constant 64 : i32
          %scan3A_36 = arith.addi %scan3A_34, %scan3A_35 : i32
          %scan3A_37 = arith.constant 1 : i32
          scf.for %scan3A_70 = %scan3A_34 to %scan3A_36 step %scan3A_37  : i32 {
            %add3A_71 = arith.addi %mul3A_17, %scan3A_70 : i32
            %broadcast_in_dim3A = vector.broadcast %add3A_71 : i32 to vector<16xi32>
            %gather3A = tpu.vector_load_idx %arg9[%broadcast_in_dim3A] : memref<12800xf32, #tpu.memory_space<vmem>>[vector<16xi32>], vector<16xf32>,
            %broadcast_in_dim3A_72 = vector.broadcast %scan3A_70 : i32 to vector<16xi32>
            %shift_right_arithmetic3A = arith.constant 3 : i32
            %shift_right_arithmetic3A_73 = arith.shrsi %scan3A_70, %shift_right_arithmetic3A : i32
            %and3A = arith.constant 7 : i32
            %and3A_74 = arith.andi %scan3A_70, %and3A : i32
            %iota3A = tpu.iota {dimensions = array<i32: 0>} : vector<16xi32>
            %add3A_75 = arith.constant 0 : i32
            %add3A_76 = vector.broadcast %add3A_75 : i32 to vector<16xi32>
            %add3A_77 = arith.addi %iota3A, %add3A_76 : vector<16xi32>
            %gather3A_78 = tpu.vector_load_idx %arg7[%add3A_77, %broadcast_in_dim3A_72] : memref<256x64xf32, #tpu.memory_space<vmem>>[vector<16xi32>, vector<16xi32>], vector<16xf32>,
            %add3A_79 = arith.addf %gather3A_78, %gather3A : vector<16xf32>
            %swap3A = arith.constant 0 : i32
            %swap3A_80 = arith.index_cast %shift_right_arithmetic3A_73 : i32 to index
            %swap3A_81 = arith.index_cast %swap3A : i32 to index
            %swap3A_82 = arith.index_cast %and3A_74 : i32 to index
            %swap3A_83 = arith.constant 0 : index
            %swap3A_84 = tpu.vector_load %arg8[%swap3A_80, %swap3A_81, %swap3A_82, %swap3A_83] {strides = array<i32>} : memref<8x2x8x128xf32, #tpu.memory_space<vmem>>, vector<16xf32>,
            tpu.vector_store %arg8[%swap3A_80, %swap3A_81, %swap3A_82, %swap3A_83], %add3A_79 {strides = array<i32>} : memref<8x2x8x128xf32, #tpu.memory_space<vmem>>, vector<16xf32>,
            %iota3A_85 = tpu.iota {dimensions = array<i32: 0>} : vector<16xi32>
            %add3A_86 = arith.constant 16 : i32
            %add3A_87 = vector.broadcast %add3A_86 : i32 to vector<16xi32>
            %add3A_88 = arith.addi %iota3A_85, %add3A_87 : vector<16xi32>
            %gather3A_89 = tpu.vector_load_idx %arg7[%add3A_88, %broadcast_in_dim3A_72] : memref<256x64xf32, #tpu.memory_space<vmem>>[vector<16xi32>, vector<16xi32>], vector<16xf32>,
            %add3A_90 = arith.addf %gather3A_89, %gather3A : vector<16xf32>
            %swap3A_91 = arith.constant 0 : i32
            %swap3A_92 = arith.index_cast %shift_right_arithmetic3A_73 : i32 to index
            %swap3A_93 = arith.index_cast %swap3A_91 : i32 to index
            %swap3A_94 = arith.index_cast %and3A_74 : i32 to index
            %swap3A_95 = arith.constant 16 : index
            %swap3A_96 = tpu.vector_load %arg8[%swap3A_92, %swap3A_93, %swap3A_94, %swap3A_95] {strides = array<i32>} : memref<8x2x8x128xf32, #tpu.memory_space<vmem>>, vector<16xf32>,
            tpu.vector_store %arg8[%swap3A_92, %swap3A_93, %swap3A_94, %swap3A_95], %add3A_90 {strides = array<i32>} : memref<8x2x8x128xf32, #tpu.memory_space<vmem>>, vector<16xf32>,
            %iota3A_97 = tpu.iota {dimensions = array<i32: 0>} : vector<16xi32>
            %add3A_98 = arith.constant 32 : i32
            %add3A_99 = vector.broadcast %add3A_98 : i32 to vector<16xi32>
            %add3A_100 = arith.addi %iota3A_97, %add3A_99 : vector<16xi32>
            %gather3A_101 = tpu.vector_load_idx %arg7[%add3A_100, %broadcast_in_dim3A_72] : memref<256x64xf32, #tpu.memory_space<vmem>>[vector<16xi32>, vector<16xi32>], vector<16xf32>,
            %add3A_102 = arith.addf %gather3A_101, %gather3A : vector<16xf32>
            %swap3A_103 = arith.constant 0 : i32
            %swap3A_104 = arith.index_cast %shift_right_arithmetic3A_73 : i32 to index
            %swap3A_105 = arith.index_cast %swap3A_103 : i32 to index
            %swap3A_106 = arith.index_cast %and3A_74 : i32 to index
            %swap3A_107 = arith.constant 32 : index
            %swap3A_108 = tpu.vector_load %arg8[%swap3A_104, %swap3A_105, %swap3A_106, %swap3A_107] {strides = array<i32>} : memref<8x2x8x128xf32, #tpu.memory_space<vmem>>, vector<16xf32>,
            tpu.vector_store %arg8[%swap3A_104, %swap3A_105, %swap3A_106, %swap3A_107], %add3A_102 {strides = array<i32>} : memref<8x2x8x128xf32, #tpu.memory_space<vmem>>, vector<16xf32>,
            %iota3A_109 = tpu.iota {dimensions = array<i32: 0>} : vector<16xi32>
            %add3A_110 = arith.constant 48 : i32
            %add3A_111 = vector.broadcast %add3A_110 : i32 to vector<16xi32>
            %add3A_112 = arith.addi %iota3A_109, %add3A_111 : vector<16xi32>
            %gather3A_113 = tpu.vector_load_idx %arg7[%add3A_112, %broadcast_in_dim3A_72] : memref<256x64xf32, #tpu.memory_space<vmem>>[vector<16xi32>, vector<16xi32>], vector<16xf32>,
            %add3A_114 = arith.addf %gather3A_113, %gather3A : vector<16xf32>
            %swap3A_115 = arith.constant 0 : i32
            %swap3A_116 = arith.index_cast %shift_right_arithmetic3A_73 : i32 to index
            %swap3A_117 = arith.index_cast %swap3A_115 : i32 to index
            %swap3A_118 = arith.index_cast %and3A_74 : i32 to index
            %swap3A_119 = arith.constant 48 : index
            %swap3A_120 = tpu.vector_load %arg8[%swap3A_116, %swap3A_117, %swap3A_118, %swap3A_119] {strides = array<i32>} : memref<8x2x8x128xf32, #tpu.memory_space<vmem>>, vector<16xf32>,
            tpu.vector_store %arg8[%swap3A_116, %swap3A_117, %swap3A_118, %swap3A_119], %add3A_114 {strides = array<i32>} : memref<8x2x8x128xf32, #tpu.memory_space<vmem>>, vector<16xf32>,
            %iota3A_121 = tpu.iota {dimensions = array<i32: 0>} : vector<16xi32>
            %add3A_122 = arith.constant 64 : i32
            %add3A_123 = vector.broadcast %add3A_122 : i32 to vector<16xi32>
            %add3A_124 = arith.addi %iota3A_121, %add3A_123 : vector<16xi32>
            %gather3A_125 = tpu.vector_load_idx %arg7[%add3A_124, %broadcast_in_dim3A_72] : memref<256x64xf32, #tpu.memory_space<vmem>>[vector<16xi32>, vector<16xi32>], vector<16xf32>,
            %add3A_126 = arith.addf %gather3A_125, %gather3A : vector<16xf32>
            %swap3A_127 = arith.constant 0 : i32
            %swap3A_128 = arith.index_cast %shift_right_arithmetic3A_73 : i32 to index
            %swap3A_129 = arith.index_cast %swap3A_127 : i32 to index
            %swap3A_130 = arith.index_cast %and3A_74 : i32 to index
            %swap3A_131 = arith.constant 64 : index
            %swap3A_132 = tpu.vector_load %arg8[%swap3A_128, %swap3A_129, %swap3A_130, %swap3A_131] {strides = array<i32>} : memref<8x2x8x128xf32, #tpu.memory_space<vmem>>, vector<16xf32>,
            tpu.vector_store %arg8[%swap3A_128, %swap3A_129, %swap3A_130, %swap3A_131], %add3A_126 {strides = array<i32>} : memref<8x2x8x128xf32, #tpu.memory_space<vmem>>, vector<16xf32>,
            %iota3A_133 = tpu.iota {dimensions = array<i32: 0>} : vector<16xi32>
            %add3A_134 = arith.constant 80 : i32
            %add3A_135 = vector.broadcast %add3A_134 : i32 to vector<16xi32>
            %add3A_136 = arith.addi %iota3A_133, %add3A_135 : vector<16xi32>
            %gather3A_137 = tpu.vector_load_idx %arg7[%add3A_136, %broadcast_in_dim3A_72] : memref<256x64xf32, #tpu.memory_space<vmem>>[vector<16xi32>, vector<16xi32>], vector<16xf32>,
            %add3A_138 = arith.addf %gather3A_137, %gather3A : vector<16xf32>
            %swap3A_139 = arith.constant 0 : i32
            %swap3A_140 = arith.index_cast %shift_right_arithmetic3A_73 : i32 to index
            %swap3A_141 = arith.index_cast %swap3A_139 : i32 to index
            %swap3A_142 = arith.index_cast %and3A_74 : i32 to index
            %swap3A_143 = arith.constant 80 : index
            %swap3A_144 = tpu.vector_load %arg8[%swap3A_140, %swap3A_141, %swap3A_142, %swap3A_143] {strides = array<i32>} : memref<8x2x8x128xf32, #tpu.memory_space<vmem>>, vector<16xf32>,
            tpu.vector_store %arg8[%swap3A_140, %swap3A_141, %swap3A_142, %swap3A_143], %add3A_138 {strides = array<i32>} : memref<8x2x8x128xf32, #tpu.memory_space<vmem>>, vector<16xf32>,
            %iota3A_145 = tpu.iota {dimensions = array<i32: 0>} : vector<16xi32>
            %add3A_146 = arith.constant 96 : i32
            %add3A_147 = vector.broadcast %add3A_146 : i32 to vector<16xi32>
            %add3A_148 = arith.addi %iota3A_145, %add3A_147 : vector<16xi32>
            %gather3A_149 = tpu.vector_load_idx %arg7[%add3A_148, %broadcast_in_dim3A_72] : memref<256x64xf32, #tpu.memory_space<vmem>>[vector<16xi32>, vector<16xi32>], vector<16xf32>,
            %add3A_150 = arith.addf %gather3A_149, %gather3A : vector<16xf32>
            %swap3A_151 = arith.constant 0 : i32
            %swap3A_152 = arith.index_cast %shift_right_arithmetic3A_73 : i32 to index
            %swap3A_153 = arith.index_cast %swap3A_151 : i32 to index
            %swap3A_154 = arith.index_cast %and3A_74 : i32 to index
            %swap3A_155 = arith.constant 96 : index
            %swap3A_156 = tpu.vector_load %arg8[%swap3A_152, %swap3A_153, %swap3A_154, %swap3A_155] {strides = array<i32>} : memref<8x2x8x128xf32, #tpu.memory_space<vmem>>, vector<16xf32>,
            tpu.vector_store %arg8[%swap3A_152, %swap3A_153, %swap3A_154, %swap3A_155], %add3A_150 {strides = array<i32>} : memref<8x2x8x128xf32, #tpu.memory_space<vmem>>, vector<16xf32>,
            %iota3A_157 = tpu.iota {dimensions = array<i32: 0>} : vector<16xi32>
            %add3A_158 = arith.constant 112 : i32
            %add3A_159 = vector.broadcast %add3A_158 : i32 to vector<16xi32>
            %add3A_160 = arith.addi %iota3A_157, %add3A_159 : vector<16xi32>
            %gather3A_161 = tpu.vector_load_idx %arg7[%add3A_160, %broadcast_in_dim3A_72] : memref<256x64xf32, #tpu.memory_space<vmem>>[vector<16xi32>, vector<16xi32>], vector<16xf32>,
            %add3A_162 = arith.addf %gather3A_161, %gather3A : vector<16xf32>
            %swap3A_163 = arith.constant 0 : i32
            %swap3A_164 = arith.index_cast %shift_right_arithmetic3A_73 : i32 to index
            %swap3A_165 = arith.index_cast %swap3A_163 : i32 to index
            %swap3A_166 = arith.index_cast %and3A_74 : i32 to index
            %swap3A_167 = arith.constant 112 : index
            %swap3A_168 = tpu.vector_load %arg8[%swap3A_164, %swap3A_165, %swap3A_166, %swap3A_167] {strides = array<i32>} : memref<8x2x8x128xf32, #tpu.memory_space<vmem>>, vector<16xf32>,
            tpu.vector_store %arg8[%swap3A_164, %swap3A_165, %swap3A_166, %swap3A_167], %add3A_162 {strides = array<i32>} : memref<8x2x8x128xf32, #tpu.memory_space<vmem>>, vector<16xf32>,
            %iota3A_169 = tpu.iota {dimensions = array<i32: 0>} : vector<16xi32>
            %add3A_170 = arith.constant 128 : i32
            %add3A_171 = vector.broadcast %add3A_170 : i32 to vector<16xi32>
            %add3A_172 = arith.addi %iota3A_169, %add3A_171 : vector<16xi32>
            %gather3A_173 = tpu.vector_load_idx %arg7[%add3A_172, %broadcast_in_dim3A_72] : memref<256x64xf32, #tpu.memory_space<vmem>>[vector<16xi32>, vector<16xi32>], vector<16xf32>,
            %add3A_174 = arith.addf %gather3A_173, %gather3A : vector<16xf32>
            %swap3A_175 = arith.constant 1 : i32
            %swap3A_176 = arith.index_cast %shift_right_arithmetic3A_73 : i32 to index
            %swap3A_177 = arith.index_cast %swap3A_175 : i32 to index
            %swap3A_178 = arith.index_cast %and3A_74 : i32 to index
            %swap3A_179 = arith.constant 0 : index
            %swap3A_180 = tpu.vector_load %arg8[%swap3A_176, %swap3A_177, %swap3A_178, %swap3A_179] {strides = array<i32>} : memref<8x2x8x128xf32, #tpu.memory_space<vmem>>, vector<16xf32>,
            tpu.vector_store %arg8[%swap3A_176, %swap3A_177, %swap3A_178, %swap3A_179], %add3A_174 {strides = array<i32>} : memref<8x2x8x128xf32, #tpu.memory_space<vmem>>, vector<16xf32>,
            %iota3A_181 = tpu.iota {dimensions = array<i32: 0>} : vector<16xi32>
            %add3A_182 = arith.constant 144 : i32
            %add3A_183 = vector.broadcast %add3A_182 : i32 to vector<16xi32>
            %add3A_184 = arith.addi %iota3A_181, %add3A_183 : vector<16xi32>
            %gather3A_185 = tpu.vector_load_idx %arg7[%add3A_184, %broadcast_in_dim3A_72] : memref<256x64xf32, #tpu.memory_space<vmem>>[vector<16xi32>, vector<16xi32>], vector<16xf32>,
            %add3A_186 = arith.addf %gather3A_185, %gather3A : vector<16xf32>
            %swap3A_187 = arith.constant 1 : i32
            %swap3A_188 = arith.index_cast %shift_right_arithmetic3A_73 : i32 to index
            %swap3A_189 = arith.index_cast %swap3A_187 : i32 to index
            %swap3A_190 = arith.index_cast %and3A_74 : i32 to index
            %swap3A_191 = arith.constant 16 : index
            %swap3A_192 = tpu.vector_load %arg8[%swap3A_188, %swap3A_189, %swap3A_190, %swap3A_191] {strides = array<i32>} : memref<8x2x8x128xf32, #tpu.memory_space<vmem>>, vector<16xf32>,
            tpu.vector_store %arg8[%swap3A_188, %swap3A_189, %swap3A_190, %swap3A_191], %add3A_186 {strides = array<i32>} : memref<8x2x8x128xf32, #tpu.memory_space<vmem>>, vector<16xf32>,
            %iota3A_193 = tpu.iota {dimensions = array<i32: 0>} : vector<16xi32>
            %add3A_194 = arith.constant 160 : i32
            %add3A_195 = vector.broadcast %add3A_194 : i32 to vector<16xi32>
            %add3A_196 = arith.addi %iota3A_193, %add3A_195 : vector<16xi32>
            %gather3A_197 = tpu.vector_load_idx %arg7[%add3A_196, %broadcast_in_dim3A_72] : memref<256x64xf32, #tpu.memory_space<vmem>>[vector<16xi32>, vector<16xi32>], vector<16xf32>,
            %add3A_198 = arith.addf %gather3A_197, %gather3A : vector<16xf32>
            %swap3A_199 = arith.constant 1 : i32
            %swap3A_200 = arith.index_cast %shift_right_arithmetic3A_73 : i32 to index
            %swap3A_201 = arith.index_cast %swap3A_199 : i32 to index
            %swap3A_202 = arith.index_cast %and3A_74 : i32 to index
            %swap3A_203 = arith.constant 32 : index
            %swap3A_204 = tpu.vector_load %arg8[%swap3A_200, %swap3A_201, %swap3A_202, %swap3A_203] {strides = array<i32>} : memref<8x2x8x128xf32, #tpu.memory_space<vmem>>, vector<16xf32>,
            tpu.vector_store %arg8[%swap3A_200, %swap3A_201, %swap3A_202, %swap3A_203], %add3A_198 {strides = array<i32>} : memref<8x2x8x128xf32, #tpu.memory_space<vmem>>, vector<16xf32>,
            %iota3A_205 = tpu.iota {dimensions = array<i32: 0>} : vector<16xi32>
            %add3A_206 = arith.constant 176 : i32
            %add3A_207 = vector.broadcast %add3A_206 : i32 to vector<16xi32>
            %add3A_208 = arith.addi %iota3A_205, %add3A_207 : vector<16xi32>
            %gather3A_209 = tpu.vector_load_idx %arg7[%add3A_208, %broadcast_in_dim3A_72] : memref<256x64xf32, #tpu.memory_space<vmem>>[vector<16xi32>, vector<16xi32>], vector<16xf32>,
            %add3A_210 = arith.addf %gather3A_209, %gather3A : vector<16xf32>
            %swap3A_211 = arith.constant 1 : i32
            %swap3A_212 = arith.index_cast %shift_right_arithmetic3A_73 : i32 to index
            %swap3A_213 = arith.index_cast %swap3A_211 : i32 to index
            %swap3A_214 = arith.index_cast %and3A_74 : i32 to index
            %swap3A_215 = arith.constant 48 : index
            %swap3A_216 = tpu.vector_load %arg8[%swap3A_212, %swap3A_213, %swap3A_214, %swap3A_215] {strides = array<i32>} : memref<8x2x8x128xf32, #tpu.memory_space<vmem>>, vector<16xf32>,
            tpu.vector_store %arg8[%swap3A_212, %swap3A_213, %swap3A_214, %swap3A_215], %add3A_210 {strides = array<i32>} : memref<8x2x8x128xf32, #tpu.memory_space<vmem>>, vector<16xf32>,
            %iota3A_217 = tpu.iota {dimensions = array<i32: 0>} : vector<16xi32>
            %add3A_218 = arith.constant 192 : i32
            %add3A_219 = vector.broadcast %add3A_218 : i32 to vector<16xi32>
            %add3A_220 = arith.addi %iota3A_217, %add3A_219 : vector<16xi32>
            %gather3A_221 = tpu.vector_load_idx %arg7[%add3A_220, %broadcast_in_dim3A_72] : memref<256x64xf32, #tpu.memory_space<vmem>>[vector<16xi32>, vector<16xi32>], vector<16xf32>,
            %add3A_222 = arith.addf %gather3A_221, %gather3A : vector<16xf32>
            %swap3A_223 = arith.constant 1 : i32
            %swap3A_224 = arith.index_cast %shift_right_arithmetic3A_73 : i32 to index
            %swap3A_225 = arith.index_cast %swap3A_223 : i32 to index
            %swap3A_226 = arith.index_cast %and3A_74 : i32 to index
            %swap3A_227 = arith.constant 64 : index
            %swap3A_228 = tpu.vector_load %arg8[%swap3A_224, %swap3A_225, %swap3A_226, %swap3A_227] {strides = array<i32>} : memref<8x2x8x128xf32, #tpu.memory_space<vmem>>, vector<16xf32>,
            tpu.vector_store %arg8[%swap3A_224, %swap3A_225, %swap3A_226, %swap3A_227], %add3A_222 {strides = array<i32>} : memref<8x2x8x128xf32, #tpu.memory_space<vmem>>, vector<16xf32>,
            %iota3A_229 = tpu.iota {dimensions = array<i32: 0>} : vector<16xi32>
            %add3A_230 = arith.constant 208 : i32
            %add3A_231 = vector.broadcast %add3A_230 : i32 to vector<16xi32>
            %add3A_232 = arith.addi %iota3A_229, %add3A_231 : vector<16xi32>
            %gather3A_233 = tpu.vector_load_idx %arg7[%add3A_232, %broadcast_in_dim3A_72] : memref<256x64xf32, #tpu.memory_space<vmem>>[vector<16xi32>, vector<16xi32>], vector<16xf32>,
            %add3A_234 = arith.addf %gather3A_233, %gather3A : vector<16xf32>
            %swap3A_235 = arith.constant 1 : i32
            %swap3A_236 = arith.index_cast %shift_right_arithmetic3A_73 : i32 to index
            %swap3A_237 = arith.index_cast %swap3A_235 : i32 to index
            %swap3A_238 = arith.index_cast %and3A_74 : i32 to index
            %swap3A_239 = arith.constant 80 : index
            %swap3A_240 = tpu.vector_load %arg8[%swap3A_236, %swap3A_237, %swap3A_238, %swap3A_239] {strides = array<i32>} : memref<8x2x8x128xf32, #tpu.memory_space<vmem>>, vector<16xf32>,
            tpu.vector_store %arg8[%swap3A_236, %swap3A_237, %swap3A_238, %swap3A_239], %add3A_234 {strides = array<i32>} : memref<8x2x8x128xf32, #tpu.memory_space<vmem>>, vector<16xf32>,
            %iota3A_241 = tpu.iota {dimensions = array<i32: 0>} : vector<16xi32>
            %add3A_242 = arith.constant 224 : i32
            %add3A_243 = vector.broadcast %add3A_242 : i32 to vector<16xi32>
            %add3A_244 = arith.addi %iota3A_241, %add3A_243 : vector<16xi32>
            %gather3A_245 = tpu.vector_load_idx %arg7[%add3A_244, %broadcast_in_dim3A_72] : memref<256x64xf32, #tpu.memory_space<vmem>>[vector<16xi32>, vector<16xi32>], vector<16xf32>,
            %add3A_246 = arith.addf %gather3A_245, %gather3A : vector<16xf32>
            %swap3A_247 = arith.constant 1 : i32
            %swap3A_248 = arith.index_cast %shift_right_arithmetic3A_73 : i32 to index
            %swap3A_249 = arith.index_cast %swap3A_247 : i32 to index
            %swap3A_250 = arith.index_cast %and3A_74 : i32 to index
            %swap3A_251 = arith.constant 96 : index
            %swap3A_252 = tpu.vector_load %arg8[%swap3A_248, %swap3A_249, %swap3A_250, %swap3A_251] {strides = array<i32>} : memref<8x2x8x128xf32, #tpu.memory_space<vmem>>, vector<16xf32>,
            tpu.vector_store %arg8[%swap3A_248, %swap3A_249, %swap3A_250, %swap3A_251], %add3A_246 {strides = array<i32>} : memref<8x2x8x128xf32, #tpu.memory_space<vmem>>, vector<16xf32>,
            %iota3A_253 = tpu.iota {dimensions = array<i32: 0>} : vector<16xi32>
            %add3A_254 = arith.constant 240 : i32
            %add3A_255 = vector.broadcast %add3A_254 : i32 to vector<16xi32>
            %add3A_256 = arith.addi %iota3A_253, %add3A_255 : vector<16xi32>
            %gather3A_257 = tpu.vector_load_idx %arg7[%add3A_256, %broadcast_in_dim3A_72] : memref<256x64xf32, #tpu.memory_space<vmem>>[vector<16xi32>, vector<16xi32>], vector<16xf32>,
            %add3A_258 = arith.addf %gather3A_257, %gather3A : vector<16xf32>
            %swap3A_259 = arith.constant 1 : i32
            %swap3A_260 = arith.index_cast %shift_right_arithmetic3A_73 : i32 to index
            %swap3A_261 = arith.index_cast %swap3A_259 : i32 to index
            %swap3A_262 = arith.index_cast %and3A_74 : i32 to index
            %swap3A_263 = arith.constant 112 : index
            %swap3A_264 = tpu.vector_load %arg8[%swap3A_260, %swap3A_261, %swap3A_262, %swap3A_263] {strides = array<i32>} : memref<8x2x8x128xf32, #tpu.memory_space<vmem>>, vector<16xf32>,
            tpu.vector_store %arg8[%swap3A_260, %swap3A_261, %swap3A_262, %swap3A_263], %add3A_258 {strides = array<i32>} : memref<8x2x8x128xf32, #tpu.memory_space<vmem>>, vector<16xf32>,
          }
          %scan3A_38 = arith.constant 64 : i32
          %mul3A_39 = arith.constant 2 : i32
          %mul3A_40 = arith.muli %scan3A_24, %mul3A_39 : i32
          %run_scoped3A = arith.constant 0 : i32
          %run_scoped3A_41 = arith.constant 0 : i32
          "tpu.region"() ({
            %run_scoped3A_70 = tpu.sem_alloc : memref<!tpu.dma_semaphore, #tpu.memory_space<semaphore_mem>>
            %dma_start3A_71 = arith.constant 0 : i32
            %dma_start3A_72 = arith.constant 0 : i32
            %dma_start3A_73 = arith.constant 0 : i32
            %dma_start3A_74 = tpu.memref_slice %arg8[%run_scoped3A, %dma_start3A_71, %dma_start3A_72, %dma_start3A_73] : memref<8x2x8x128xf32, #tpu.memory_space<vmem>> -> memref<1x2x8x128xf32, #tpu.memory_space<vmem>>
            %dma_start3A_75 = tpu.memref_squeeze %dma_start3A_74 : memref<1x2x8x128xf32, #tpu.memory_space<vmem>> -> memref<2x8x128xf32, #tpu.memory_space<vmem>>
            %dma_start3A_76 = arith.constant 0 : i32
            %dma_start3A_77 = arith.constant 0 : i32
            %dma_start3A_78 = tpu.memref_slice %arg5[%add3A_15, %run_scoped3A_41, %mul3A_40, %dma_start3A_76, %dma_start3A_77] : memref<200x8x32x8x128xf32, #tpu.memory_space<hbm>> -> memref<1x1x2x8x128xf32, #tpu.memory_space<hbm>>
            %dma_start3A_79 = tpu.memref_squeeze %dma_start3A_78 : memref<1x1x2x8x128xf32, #tpu.memory_space<hbm>> -> memref<2x8x128xf32, #tpu.memory_space<hbm>>
            %dma_start3A_80 = arith.constant 0 : i32
            %dma_start3A_81 = arith.constant 0 : i32
            %dma_start3A_82 = tpu.memref_slice %arg5[%add3A_15, %run_scoped3A_41, %mul3A_40, %dma_start3A_80, %dma_start3A_81] : memref<200x8x32x8x128xf32, #tpu.memory_space<hbm>> -> memref<1x1x2x8x128xf32, #tpu.memory_space<hbm>>
            %dma_start3A_83 = tpu.memref_squeeze %dma_start3A_82 : memref<1x1x2x8x128xf32, #tpu.memory_space<hbm>> -> memref<2x8x128xf32, #tpu.memory_space<hbm>>
            %dma_start3A_84 = arith.constant 0 : i32
            %dma_start3A_85 = arith.constant 0 : i32
            %dma_start3A_86 = arith.constant 0 : i32
            %dma_start3A_87 = tpu.memref_slice %arg8[%run_scoped3A, %dma_start3A_84, %dma_start3A_85, %dma_start3A_86] : memref<8x2x8x128xf32, #tpu.memory_space<vmem>> -> memref<1x2x8x128xf32, #tpu.memory_space<vmem>>
            %dma_start3A_88 = tpu.memref_squeeze %dma_start3A_87 : memref<1x2x8x128xf32, #tpu.memory_space<vmem>> -> memref<2x8x128xf32, #tpu.memory_space<vmem>>
            tpu.enqueue_dma source(%dma_start3A_88 : memref<2x8x128xf32, #tpu.memory_space<vmem>>) target(%dma_start3A_83 : memref<2x8x128xf32, #tpu.memory_space<hbm>>) target_semaphore(%run_scoped3A_70 : memref<!tpu.dma_semaphore, #tpu.memory_space<semaphore_mem>>)
            %dma_wait3A_89 = arith.constant 0 : i32
            %dma_wait3A_90 = arith.constant 0 : i32
            %dma_wait3A_91 = arith.constant 0 : i32
            %dma_wait3A_92 = tpu.memref_slice %arg8[%run_scoped3A, %dma_wait3A_89, %dma_wait3A_90, %dma_wait3A_91] : memref<8x2x8x128xf32, #tpu.memory_space<vmem>> -> memref<1x2x8x128xf32, #tpu.memory_space<vmem>>
            %dma_wait3A_93 = tpu.memref_squeeze %dma_wait3A_92 : memref<1x2x8x128xf32, #tpu.memory_space<vmem>> -> memref<2x8x128xf32, #tpu.memory_space<vmem>>
            %dma_wait3A_94 = arith.constant 0 : i32
            %dma_wait3A_95 = arith.constant 0 : i32
            %dma_wait3A_96 = tpu.memref_slice %arg5[%add3A_15, %run_scoped3A_41, %mul3A_40, %dma_wait3A_94, %dma_wait3A_95] : memref<200x8x32x8x128xf32, #tpu.memory_space<hbm>> -> memref<1x1x2x8x128xf32, #tpu.memory_space<hbm>>
            %dma_wait3A_97 = tpu.memref_squeeze %dma_wait3A_96 : memref<1x1x2x8x128xf32, #tpu.memory_space<hbm>> -> memref<2x8x128xf32, #tpu.memory_space<hbm>>
            %dma_wait3A_98 = arith.constant 0 : i32
            %dma_wait3A_99 = arith.constant 0 : i32
            %dma_wait3A_100 = tpu.memref_slice %arg5[%add3A_15, %run_scoped3A_41, %mul3A_40, %dma_wait3A_98, %dma_wait3A_99] : memref<200x8x32x8x128xf32, #tpu.memory_space<hbm>> -> memref<1x1x2x8x128xf32, #tpu.memory_space<hbm>>
            %dma_wait3A_101 = tpu.memref_squeeze %dma_wait3A_100 : memref<1x1x2x8x128xf32, #tpu.memory_space<hbm>> -> memref<2x8x128xf32, #tpu.memory_space<hbm>>
            %dma_wait3A_102 = arith.constant 0 : i32
            %dma_wait3A_103 = arith.constant 0 : i32
            %dma_wait3A_104 = arith.constant 0 : i32
            %dma_wait3A_105 = tpu.memref_slice %arg8[%run_scoped3A, %dma_wait3A_102, %dma_wait3A_103, %dma_wait3A_104] : memref<8x2x8x128xf32, #tpu.memory_space<vmem>> -> memref<1x2x8x128xf32, #tpu.memory_space<vmem>>
            %dma_wait3A_106 = tpu.memref_squeeze %dma_wait3A_105 : memref<1x2x8x128xf32, #tpu.memory_space<vmem>> -> memref<2x8x128xf32, #tpu.memory_space<vmem>>
            tpu.wait_dma2 semaphore(%run_scoped3A_70 : memref<!tpu.dma_semaphore, #tpu.memory_space<semaphore_mem>>) src(%dma_wait3A_106 : memref<2x8x128xf32, #tpu.memory_space<vmem>>) dst(%dma_wait3A_101 : memref<2x8x128xf32, #tpu.memory_space<hbm>>)
            tpu.yield
          }) : () -> ()
          %mul3A_42 = arith.constant 2 : i32
          %mul3A_43 = arith.muli %scan3A_24, %mul3A_42 : i32
          %run_scoped3A_44 = arith.constant 1 : i32
          %run_scoped3A_45 = arith.constant 1 : i32
          "tpu.region"() ({
            %run_scoped3A_70 = tpu.sem_alloc : memref<!tpu.dma_semaphore, #tpu.memory_space<semaphore_mem>>
            %dma_start3A_71 = arith.constant 0 : i32
            %dma_start3A_72 = arith.constant 0 : i32
            %dma_start3A_73 = arith.constant 0 : i32
            %dma_start3A_74 = tpu.memref_slice %arg8[%run_scoped3A_44, %dma_start3A_71, %dma_start3A_72, %dma_start3A_73] : memref<8x2x8x128xf32, #tpu.memory_space<vmem>> -> memref<1x2x8x128xf32, #tpu.memory_space<vmem>>
            %dma_start3A_75 = tpu.memref_squeeze %dma_start3A_74 : memref<1x2x8x128xf32, #tpu.memory_space<vmem>> -> memref<2x8x128xf32, #tpu.memory_space<vmem>>
            %dma_start3A_76 = arith.constant 0 : i32
            %dma_start3A_77 = arith.constant 0 : i32
            %dma_start3A_78 = tpu.memref_slice %arg5[%add3A_15, %run_scoped3A_45, %mul3A_43, %dma_start3A_76, %dma_start3A_77] : memref<200x8x32x8x128xf32, #tpu.memory_space<hbm>> -> memref<1x1x2x8x128xf32, #tpu.memory_space<hbm>>
            %dma_start3A_79 = tpu.memref_squeeze %dma_start3A_78 : memref<1x1x2x8x128xf32, #tpu.memory_space<hbm>> -> memref<2x8x128xf32, #tpu.memory_space<hbm>>
            %dma_start3A_80 = arith.constant 0 : i32
            %dma_start3A_81 = arith.constant 0 : i32
            %dma_start3A_82 = tpu.memref_slice %arg5[%add3A_15, %run_scoped3A_45, %mul3A_43, %dma_start3A_80, %dma_start3A_81] : memref<200x8x32x8x128xf32, #tpu.memory_space<hbm>> -> memref<1x1x2x8x128xf32, #tpu.memory_space<hbm>>
            %dma_start3A_83 = tpu.memref_squeeze %dma_start3A_82 : memref<1x1x2x8x128xf32, #tpu.memory_space<hbm>> -> memref<2x8x128xf32, #tpu.memory_space<hbm>>
            %dma_start3A_84 = arith.constant 0 : i32
            %dma_start3A_85 = arith.constant 0 : i32
            %dma_start3A_86 = arith.constant 0 : i32
            %dma_start3A_87 = tpu.memref_slice %arg8[%run_scoped3A_44, %dma_start3A_84, %dma_start3A_85, %dma_start3A_86] : memref<8x2x8x128xf32, #tpu.memory_space<vmem>> -> memref<1x2x8x128xf32, #tpu.memory_space<vmem>>
            %dma_start3A_88 = tpu.memref_squeeze %dma_start3A_87 : memref<1x2x8x128xf32, #tpu.memory_space<vmem>> -> memref<2x8x128xf32, #tpu.memory_space<vmem>>
            tpu.enqueue_dma source(%dma_start3A_88 : memref<2x8x128xf32, #tpu.memory_space<vmem>>) target(%dma_start3A_83 : memref<2x8x128xf32, #tpu.memory_space<hbm>>) target_semaphore(%run_scoped3A_70 : memref<!tpu.dma_semaphore, #tpu.memory_space<semaphore_mem>>)
            %dma_wait3A_89 = arith.constant 0 : i32
            %dma_wait3A_90 = arith.constant 0 : i32
            %dma_wait3A_91 = arith.constant 0 : i32
            %dma_wait3A_92 = tpu.memref_slice %arg8[%run_scoped3A_44, %dma_wait3A_89, %dma_wait3A_90, %dma_wait3A_91] : memref<8x2x8x128xf32, #tpu.memory_space<vmem>> -> memref<1x2x8x128xf32, #tpu.memory_space<vmem>>
            %dma_wait3A_93 = tpu.memref_squeeze %dma_wait3A_92 : memref<1x2x8x128xf32, #tpu.memory_space<vmem>> -> memref<2x8x128xf32, #tpu.memory_space<vmem>>
            %dma_wait3A_94 = arith.constant 0 : i32
            %dma_wait3A_95 = arith.constant 0 : i32
            %dma_wait3A_96 = tpu.memref_slice %arg5[%add3A_15, %run_scoped3A_45, %mul3A_43, %dma_wait3A_94, %dma_wait3A_95] : memref<200x8x32x8x128xf32, #tpu.memory_space<hbm>> -> memref<1x1x2x8x128xf32, #tpu.memory_space<hbm>>
            %dma_wait3A_97 = tpu.memref_squeeze %dma_wait3A_96 : memref<1x1x2x8x128xf32, #tpu.memory_space<hbm>> -> memref<2x8x128xf32, #tpu.memory_space<hbm>>
            %dma_wait3A_98 = arith.constant 0 : i32
            %dma_wait3A_99 = arith.constant 0 : i32
            %dma_wait3A_100 = tpu.memref_slice %arg5[%add3A_15, %run_scoped3A_45, %mul3A_43, %dma_wait3A_98, %dma_wait3A_99] : memref<200x8x32x8x128xf32, #tpu.memory_space<hbm>> -> memref<1x1x2x8x128xf32, #tpu.memory_space<hbm>>
            %dma_wait3A_101 = tpu.memref_squeeze %dma_wait3A_100 : memref<1x1x2x8x128xf32, #tpu.memory_space<hbm>> -> memref<2x8x128xf32, #tpu.memory_space<hbm>>
            %dma_wait3A_102 = arith.constant 0 : i32
            %dma_wait3A_103 = arith.constant 0 : i32
            %dma_wait3A_104 = arith.constant 0 : i32
            %dma_wait3A_105 = tpu.memref_slice %arg8[%run_scoped3A_44, %dma_wait3A_102, %dma_wait3A_103, %dma_wait3A_104] : memref<8x2x8x128xf32, #tpu.memory_space<vmem>> -> memref<1x2x8x128xf32, #tpu.memory_space<vmem>>
            %dma_wait3A_106 = tpu.memref_squeeze %dma_wait3A_105 : memref<1x2x8x128xf32, #tpu.memory_space<vmem>> -> memref<2x8x128xf32, #tpu.memory_space<vmem>>
            tpu.wait_dma2 semaphore(%run_scoped3A_70 : memref<!tpu.dma_semaphore, #tpu.memory_space<semaphore_mem>>) src(%dma_wait3A_106 : memref<2x8x128xf32, #tpu.memory_space<vmem>>) dst(%dma_wait3A_101 : memref<2x8x128xf32, #tpu.memory_space<hbm>>)
            tpu.yield
          }) : () -> ()
          %mul3A_46 = arith.constant 2 : i32
          %mul3A_47 = arith.muli %scan3A_24, %mul3A_46 : i32
          %run_scoped3A_48 = arith.constant 2 : i32
          %run_scoped3A_49 = arith.constant 2 : i32
          "tpu.region"() ({
            %run_scoped3A_70 = tpu.sem_alloc : memref<!tpu.dma_semaphore, #tpu.memory_space<semaphore_mem>>
            %dma_start3A_71 = arith.constant 0 : i32
            %dma_start3A_72 = arith.constant 0 : i32
            %dma_start3A_73 = arith.constant 0 : i32
            %dma_start3A_74 = tpu.memref_slice %arg8[%run_scoped3A_48, %dma_start3A_71, %dma_start3A_72, %dma_start3A_73] : memref<8x2x8x128xf32, #tpu.memory_space<vmem>> -> memref<1x2x8x128xf32, #tpu.memory_space<vmem>>
            %dma_start3A_75 = tpu.memref_squeeze %dma_start3A_74 : memref<1x2x8x128xf32, #tpu.memory_space<vmem>> -> memref<2x8x128xf32, #tpu.memory_space<vmem>>
            %dma_start3A_76 = arith.constant 0 : i32
            %dma_start3A_77 = arith.constant 0 : i32
            %dma_start3A_78 = tpu.memref_slice %arg5[%add3A_15, %run_scoped3A_49, %mul3A_47, %dma_start3A_76, %dma_start3A_77] : memref<200x8x32x8x128xf32, #tpu.memory_space<hbm>> -> memref<1x1x2x8x128xf32, #tpu.memory_space<hbm>>
            %dma_start3A_79 = tpu.memref_squeeze %dma_start3A_78 : memref<1x1x2x8x128xf32, #tpu.memory_space<hbm>> -> memref<2x8x128xf32, #tpu.memory_space<hbm>>
            %dma_start3A_80 = arith.constant 0 : i32
            %dma_start3A_81 = arith.constant 0 : i32
            %dma_start3A_82 = tpu.memref_slice %arg5[%add3A_15, %run_scoped3A_49, %mul3A_47, %dma_start3A_80, %dma_start3A_81] : memref<200x8x32x8x128xf32, #tpu.memory_space<hbm>> -> memref<1x1x2x8x128xf32, #tpu.memory_space<hbm>>
            %dma_start3A_83 = tpu.memref_squeeze %dma_start3A_82 : memref<1x1x2x8x128xf32, #tpu.memory_space<hbm>> -> memref<2x8x128xf32, #tpu.memory_space<hbm>>
            %dma_start3A_84 = arith.constant 0 : i32
            %dma_start3A_85 = arith.constant 0 : i32
            %dma_start3A_86 = arith.constant 0 : i32
            %dma_start3A_87 = tpu.memref_slice %arg8[%run_scoped3A_48, %dma_start3A_84, %dma_start3A_85, %dma_start3A_86] : memref<8x2x8x128xf32, #tpu.memory_space<vmem>> -> memref<1x2x8x128xf32, #tpu.memory_space<vmem>>
            %dma_start3A_88 = tpu.memref_squeeze %dma_start3A_87 : memref<1x2x8x128xf32, #tpu.memory_space<vmem>> -> memref<2x8x128xf32, #tpu.memory_space<vmem>>
            tpu.enqueue_dma source(%dma_start3A_88 : memref<2x8x128xf32, #tpu.memory_space<vmem>>) target(%dma_start3A_83 : memref<2x8x128xf32, #tpu.memory_space<hbm>>) target_semaphore(%run_scoped3A_70 : memref<!tpu.dma_semaphore, #tpu.memory_space<semaphore_mem>>)
            %dma_wait3A_89 = arith.constant 0 : i32
            %dma_wait3A_90 = arith.constant 0 : i32
            %dma_wait3A_91 = arith.constant 0 : i32
            %dma_wait3A_92 = tpu.memref_slice %arg8[%run_scoped3A_48, %dma_wait3A_89, %dma_wait3A_90, %dma_wait3A_91] : memref<8x2x8x128xf32, #tpu.memory_space<vmem>> -> memref<1x2x8x128xf32, #tpu.memory_space<vmem>>
            %dma_wait3A_93 = tpu.memref_squeeze %dma_wait3A_92 : memref<1x2x8x128xf32, #tpu.memory_space<vmem>> -> memref<2x8x128xf32, #tpu.memory_space<vmem>>
            %dma_wait3A_94 = arith.constant 0 : i32
            %dma_wait3A_95 = arith.constant 0 : i32
            %dma_wait3A_96 = tpu.memref_slice %arg5[%add3A_15, %run_scoped3A_49, %mul3A_47, %dma_wait3A_94, %dma_wait3A_95] : memref<200x8x32x8x128xf32, #tpu.memory_space<hbm>> -> memref<1x1x2x8x128xf32, #tpu.memory_space<hbm>>
            %dma_wait3A_97 = tpu.memref_squeeze %dma_wait3A_96 : memref<1x1x2x8x128xf32, #tpu.memory_space<hbm>> -> memref<2x8x128xf32, #tpu.memory_space<hbm>>
            %dma_wait3A_98 = arith.constant 0 : i32
            %dma_wait3A_99 = arith.constant 0 : i32
            %dma_wait3A_100 = tpu.memref_slice %arg5[%add3A_15, %run_scoped3A_49, %mul3A_47, %dma_wait3A_98, %dma_wait3A_99] : memref<200x8x32x8x128xf32, #tpu.memory_space<hbm>> -> memref<1x1x2x8x128xf32, #tpu.memory_space<hbm>>
            %dma_wait3A_101 = tpu.memref_squeeze %dma_wait3A_100 : memref<1x1x2x8x128xf32, #tpu.memory_space<hbm>> -> memref<2x8x128xf32, #tpu.memory_space<hbm>>
            %dma_wait3A_102 = arith.constant 0 : i32
            %dma_wait3A_103 = arith.constant 0 : i32
            %dma_wait3A_104 = arith.constant 0 : i32
            %dma_wait3A_105 = tpu.memref_slice %arg8[%run_scoped3A_48, %dma_wait3A_102, %dma_wait3A_103, %dma_wait3A_104] : memref<8x2x8x128xf32, #tpu.memory_space<vmem>> -> memref<1x2x8x128xf32, #tpu.memory_space<vmem>>
            %dma_wait3A_106 = tpu.memref_squeeze %dma_wait3A_105 : memref<1x2x8x128xf32, #tpu.memory_space<vmem>> -> memref<2x8x128xf32, #tpu.memory_space<vmem>>
            tpu.wait_dma2 semaphore(%run_scoped3A_70 : memref<!tpu.dma_semaphore, #tpu.memory_space<semaphore_mem>>) src(%dma_wait3A_106 : memref<2x8x128xf32, #tpu.memory_space<vmem>>) dst(%dma_wait3A_101 : memref<2x8x128xf32, #tpu.memory_space<hbm>>)
            tpu.yield
          }) : () -> ()
          %mul3A_50 = arith.constant 2 : i32
          %mul3A_51 = arith.muli %scan3A_24, %mul3A_50 : i32
          %run_scoped3A_52 = arith.constant 3 : i32
          %run_scoped3A_53 = arith.constant 3 : i32
          "tpu.region"() ({
            %run_scoped3A_70 = tpu.sem_alloc : memref<!tpu.dma_semaphore, #tpu.memory_space<semaphore_mem>>
            %dma_start3A_71 = arith.constant 0 : i32
            %dma_start3A_72 = arith.constant 0 : i32
            %dma_start3A_73 = arith.constant 0 : i32
            %dma_start3A_74 = tpu.memref_slice %arg8[%run_scoped3A_52, %dma_start3A_71, %dma_start3A_72, %dma_start3A_73] : memref<8x2x8x128xf32, #tpu.memory_space<vmem>> -> memref<1x2x8x128xf32, #tpu.memory_space<vmem>>
            %dma_start3A_75 = tpu.memref_squeeze %dma_start3A_74 : memref<1x2x8x128xf32, #tpu.memory_space<vmem>> -> memref<2x8x128xf32, #tpu.memory_space<vmem>>
            %dma_start3A_76 = arith.constant 0 : i32
            %dma_start3A_77 = arith.constant 0 : i32
            %dma_start3A_78 = tpu.memref_slice %arg5[%add3A_15, %run_scoped3A_53, %mul3A_51, %dma_start3A_76, %dma_start3A_77] : memref<200x8x32x8x128xf32, #tpu.memory_space<hbm>> -> memref<1x1x2x8x128xf32, #tpu.memory_space<hbm>>
            %dma_start3A_79 = tpu.memref_squeeze %dma_start3A_78 : memref<1x1x2x8x128xf32, #tpu.memory_space<hbm>> -> memref<2x8x128xf32, #tpu.memory_space<hbm>>
            %dma_start3A_80 = arith.constant 0 : i32
            %dma_start3A_81 = arith.constant 0 : i32
            %dma_start3A_82 = tpu.memref_slice %arg5[%add3A_15, %run_scoped3A_53, %mul3A_51, %dma_start3A_80, %dma_start3A_81] : memref<200x8x32x8x128xf32, #tpu.memory_space<hbm>> -> memref<1x1x2x8x128xf32, #tpu.memory_space<hbm>>
            %dma_start3A_83 = tpu.memref_squeeze %dma_start3A_82 : memref<1x1x2x8x128xf32, #tpu.memory_space<hbm>> -> memref<2x8x128xf32, #tpu.memory_space<hbm>>
            %dma_start3A_84 = arith.constant 0 : i32
            %dma_start3A_85 = arith.constant 0 : i32
            %dma_start3A_86 = arith.constant 0 : i32
            %dma_start3A_87 = tpu.memref_slice %arg8[%run_scoped3A_52, %dma_start3A_84, %dma_start3A_85, %dma_start3A_86] : memref<8x2x8x128xf32, #tpu.memory_space<vmem>> -> memref<1x2x8x128xf32, #tpu.memory_space<vmem>>
            %dma_start3A_88 = tpu.memref_squeeze %dma_start3A_87 : memref<1x2x8x128xf32, #tpu.memory_space<vmem>> -> memref<2x8x128xf32, #tpu.memory_space<vmem>>
            tpu.enqueue_dma source(%dma_start3A_88 : memref<2x8x128xf32, #tpu.memory_space<vmem>>) target(%dma_start3A_83 : memref<2x8x128xf32, #tpu.memory_space<hbm>>) target_semaphore(%run_scoped3A_70 : memref<!tpu.dma_semaphore, #tpu.memory_space<semaphore_mem>>)
            %dma_wait3A_89 = arith.constant 0 : i32
            %dma_wait3A_90 = arith.constant 0 : i32
            %dma_wait3A_91 = arith.constant 0 : i32
            %dma_wait3A_92 = tpu.memref_slice %arg8[%run_scoped3A_52, %dma_wait3A_89, %dma_wait3A_90, %dma_wait3A_91] : memref<8x2x8x128xf32, #tpu.memory_space<vmem>> -> memref<1x2x8x128xf32, #tpu.memory_space<vmem>>
            %dma_wait3A_93 = tpu.memref_squeeze %dma_wait3A_92 : memref<1x2x8x128xf32, #tpu.memory_space<vmem>> -> memref<2x8x128xf32, #tpu.memory_space<vmem>>
            %dma_wait3A_94 = arith.constant 0 : i32
            %dma_wait3A_95 = arith.constant 0 : i32
            %dma_wait3A_96 = tpu.memref_slice %arg5[%add3A_15, %run_scoped3A_53, %mul3A_51, %dma_wait3A_94, %dma_wait3A_95] : memref<200x8x32x8x128xf32, #tpu.memory_space<hbm>> -> memref<1x1x2x8x128xf32, #tpu.memory_space<hbm>>
            %dma_wait3A_97 = tpu.memref_squeeze %dma_wait3A_96 : memref<1x1x2x8x128xf32, #tpu.memory_space<hbm>> -> memref<2x8x128xf32, #tpu.memory_space<hbm>>
            %dma_wait3A_98 = arith.constant 0 : i32
            %dma_wait3A_99 = arith.constant 0 : i32
            %dma_wait3A_100 = tpu.memref_slice %arg5[%add3A_15, %run_scoped3A_53, %mul3A_51, %dma_wait3A_98, %dma_wait3A_99] : memref<200x8x32x8x128xf32, #tpu.memory_space<hbm>> -> memref<1x1x2x8x128xf32, #tpu.memory_space<hbm>>
            %dma_wait3A_101 = tpu.memref_squeeze %dma_wait3A_100 : memref<1x1x2x8x128xf32, #tpu.memory_space<hbm>> -> memref<2x8x128xf32, #tpu.memory_space<hbm>>
            %dma_wait3A_102 = arith.constant 0 : i32
            %dma_wait3A_103 = arith.constant 0 : i32
            %dma_wait3A_104 = arith.constant 0 : i32
            %dma_wait3A_105 = tpu.memref_slice %arg8[%run_scoped3A_52, %dma_wait3A_102, %dma_wait3A_103, %dma_wait3A_104] : memref<8x2x8x128xf32, #tpu.memory_space<vmem>> -> memref<1x2x8x128xf32, #tpu.memory_space<vmem>>
            %dma_wait3A_106 = tpu.memref_squeeze %dma_wait3A_105 : memref<1x2x8x128xf32, #tpu.memory_space<vmem>> -> memref<2x8x128xf32, #tpu.memory_space<vmem>>
            tpu.wait_dma2 semaphore(%run_scoped3A_70 : memref<!tpu.dma_semaphore, #tpu.memory_space<semaphore_mem>>) src(%dma_wait3A_106 : memref<2x8x128xf32, #tpu.memory_space<vmem>>) dst(%dma_wait3A_101 : memref<2x8x128xf32, #tpu.memory_space<hbm>>)
            tpu.yield
          }) : () -> ()
          %mul3A_54 = arith.constant 2 : i32
          %mul3A_55 = arith.muli %scan3A_24, %mul3A_54 : i32
          %run_scoped3A_56 = arith.constant 4 : i32
          %run_scoped3A_57 = arith.constant 4 : i32
          "tpu.region"() ({
            %run_scoped3A_70 = tpu.sem_alloc : memref<!tpu.dma_semaphore, #tpu.memory_space<semaphore_mem>>
            %dma_start3A_71 = arith.constant 0 : i32
            %dma_start3A_72 = arith.constant 0 : i32
            %dma_start3A_73 = arith.constant 0 : i32
            %dma_start3A_74 = tpu.memref_slice %arg8[%run_scoped3A_56, %dma_start3A_71, %dma_start3A_72, %dma_start3A_73] : memref<8x2x8x128xf32, #tpu.memory_space<vmem>> -> memref<1x2x8x128xf32, #tpu.memory_space<vmem>>
            %dma_start3A_75 = tpu.memref_squeeze %dma_start3A_74 : memref<1x2x8x128xf32, #tpu.memory_space<vmem>> -> memref<2x8x128xf32, #tpu.memory_space<vmem>>
            %dma_start3A_76 = arith.constant 0 : i32
            %dma_start3A_77 = arith.constant 0 : i32
            %dma_start3A_78 = tpu.memref_slice %arg5[%add3A_15, %run_scoped3A_57, %mul3A_55, %dma_start3A_76, %dma_start3A_77] : memref<200x8x32x8x128xf32, #tpu.memory_space<hbm>> -> memref<1x1x2x8x128xf32, #tpu.memory_space<hbm>>
            %dma_start3A_79 = tpu.memref_squeeze %dma_start3A_78 : memref<1x1x2x8x128xf32, #tpu.memory_space<hbm>> -> memref<2x8x128xf32, #tpu.memory_space<hbm>>
            %dma_start3A_80 = arith.constant 0 : i32
            %dma_start3A_81 = arith.constant 0 : i32
            %dma_start3A_82 = tpu.memref_slice %arg5[%add3A_15, %run_scoped3A_57, %mul3A_55, %dma_start3A_80, %dma_start3A_81] : memref<200x8x32x8x128xf32, #tpu.memory_space<hbm>> -> memref<1x1x2x8x128xf32, #tpu.memory_space<hbm>>
            %dma_start3A_83 = tpu.memref_squeeze %dma_start3A_82 : memref<1x1x2x8x128xf32, #tpu.memory_space<hbm>> -> memref<2x8x128xf32, #tpu.memory_space<hbm>>
            %dma_start3A_84 = arith.constant 0 : i32
            %dma_start3A_85 = arith.constant 0 : i32
            %dma_start3A_86 = arith.constant 0 : i32
            %dma_start3A_87 = tpu.memref_slice %arg8[%run_scoped3A_56, %dma_start3A_84, %dma_start3A_85, %dma_start3A_86] : memref<8x2x8x128xf32, #tpu.memory_space<vmem>> -> memref<1x2x8x128xf32, #tpu.memory_space<vmem>>
            %dma_start3A_88 = tpu.memref_squeeze %dma_start3A_87 : memref<1x2x8x128xf32, #tpu.memory_space<vmem>> -> memref<2x8x128xf32, #tpu.memory_space<vmem>>
            tpu.enqueue_dma source(%dma_start3A_88 : memref<2x8x128xf32, #tpu.memory_space<vmem>>) target(%dma_start3A_83 : memref<2x8x128xf32, #tpu.memory_space<hbm>>) target_semaphore(%run_scoped3A_70 : memref<!tpu.dma_semaphore, #tpu.memory_space<semaphore_mem>>)
            %dma_wait3A_89 = arith.constant 0 : i32
            %dma_wait3A_90 = arith.constant 0 : i32
            %dma_wait3A_91 = arith.constant 0 : i32
            %dma_wait3A_92 = tpu.memref_slice %arg8[%run_scoped3A_56, %dma_wait3A_89, %dma_wait3A_90, %dma_wait3A_91] : memref<8x2x8x128xf32, #tpu.memory_space<vmem>> -> memref<1x2x8x128xf32, #tpu.memory_space<vmem>>
            %dma_wait3A_93 = tpu.memref_squeeze %dma_wait3A_92 : memref<1x2x8x128xf32, #tpu.memory_space<vmem>> -> memref<2x8x128xf32, #tpu.memory_space<vmem>>
            %dma_wait3A_94 = arith.constant 0 : i32
            %dma_wait3A_95 = arith.constant 0 : i32
            %dma_wait3A_96 = tpu.memref_slice %arg5[%add3A_15, %run_scoped3A_57, %mul3A_55, %dma_wait3A_94, %dma_wait3A_95] : memref<200x8x32x8x128xf32, #tpu.memory_space<hbm>> -> memref<1x1x2x8x128xf32, #tpu.memory_space<hbm>>
            %dma_wait3A_97 = tpu.memref_squeeze %dma_wait3A_96 : memref<1x1x2x8x128xf32, #tpu.memory_space<hbm>> -> memref<2x8x128xf32, #tpu.memory_space<hbm>>
            %dma_wait3A_98 = arith.constant 0 : i32
            %dma_wait3A_99 = arith.constant 0 : i32
            %dma_wait3A_100 = tpu.memref_slice %arg5[%add3A_15, %run_scoped3A_57, %mul3A_55, %dma_wait3A_98, %dma_wait3A_99] : memref<200x8x32x8x128xf32, #tpu.memory_space<hbm>> -> memref<1x1x2x8x128xf32, #tpu.memory_space<hbm>>
            %dma_wait3A_101 = tpu.memref_squeeze %dma_wait3A_100 : memref<1x1x2x8x128xf32, #tpu.memory_space<hbm>> -> memref<2x8x128xf32, #tpu.memory_space<hbm>>
            %dma_wait3A_102 = arith.constant 0 : i32
            %dma_wait3A_103 = arith.constant 0 : i32
            %dma_wait3A_104 = arith.constant 0 : i32
            %dma_wait3A_105 = tpu.memref_slice %arg8[%run_scoped3A_56, %dma_wait3A_102, %dma_wait3A_103, %dma_wait3A_104] : memref<8x2x8x128xf32, #tpu.memory_space<vmem>> -> memref<1x2x8x128xf32, #tpu.memory_space<vmem>>
            %dma_wait3A_106 = tpu.memref_squeeze %dma_wait3A_105 : memref<1x2x8x128xf32, #tpu.memory_space<vmem>> -> memref<2x8x128xf32, #tpu.memory_space<vmem>>
            tpu.wait_dma2 semaphore(%run_scoped3A_70 : memref<!tpu.dma_semaphore, #tpu.memory_space<semaphore_mem>>) src(%dma_wait3A_106 : memref<2x8x128xf32, #tpu.memory_space<vmem>>) dst(%dma_wait3A_101 : memref<2x8x128xf32, #tpu.memory_space<hbm>>)
            tpu.yield
          }) : () -> ()
          %mul3A_58 = arith.constant 2 : i32
          %mul3A_59 = arith.muli %scan3A_24, %mul3A_58 : i32
          %run_scoped3A_60 = arith.constant 5 : i32
          %run_scoped3A_61 = arith.constant 5 : i32
          "tpu.region"() ({
            %run_scoped3A_70 = tpu.sem_alloc : memref<!tpu.dma_semaphore, #tpu.memory_space<semaphore_mem>>
            %dma_start3A_71 = arith.constant 0 : i32
            %dma_start3A_72 = arith.constant 0 : i32
            %dma_start3A_73 = arith.constant 0 : i32
            %dma_start3A_74 = tpu.memref_slice %arg8[%run_scoped3A_60, %dma_start3A_71, %dma_start3A_72, %dma_start3A_73] : memref<8x2x8x128xf32, #tpu.memory_space<vmem>> -> memref<1x2x8x128xf32, #tpu.memory_space<vmem>>
            %dma_start3A_75 = tpu.memref_squeeze %dma_start3A_74 : memref<1x2x8x128xf32, #tpu.memory_space<vmem>> -> memref<2x8x128xf32, #tpu.memory_space<vmem>>
            %dma_start3A_76 = arith.constant 0 : i32
            %dma_start3A_77 = arith.constant 0 : i32
            %dma_start3A_78 = tpu.memref_slice %arg5[%add3A_15, %run_scoped3A_61, %mul3A_59, %dma_start3A_76, %dma_start3A_77] : memref<200x8x32x8x128xf32, #tpu.memory_space<hbm>> -> memref<1x1x2x8x128xf32, #tpu.memory_space<hbm>>
            %dma_start3A_79 = tpu.memref_squeeze %dma_start3A_78 : memref<1x1x2x8x128xf32, #tpu.memory_space<hbm>> -> memref<2x8x128xf32, #tpu.memory_space<hbm>>
            %dma_start3A_80 = arith.constant 0 : i32
            %dma_start3A_81 = arith.constant 0 : i32
            %dma_start3A_82 = tpu.memref_slice %arg5[%add3A_15, %run_scoped3A_61, %mul3A_59, %dma_start3A_80, %dma_start3A_81] : memref<200x8x32x8x128xf32, #tpu.memory_space<hbm>> -> memref<1x1x2x8x128xf32, #tpu.memory_space<hbm>>
            %dma_start3A_83 = tpu.memref_squeeze %dma_start3A_82 : memref<1x1x2x8x128xf32, #tpu.memory_space<hbm>> -> memref<2x8x128xf32, #tpu.memory_space<hbm>>
            %dma_start3A_84 = arith.constant 0 : i32
            %dma_start3A_85 = arith.constant 0 : i32
            %dma_start3A_86 = arith.constant 0 : i32
            %dma_start3A_87 = tpu.memref_slice %arg8[%run_scoped3A_60, %dma_start3A_84, %dma_start3A_85, %dma_start3A_86] : memref<8x2x8x128xf32, #tpu.memory_space<vmem>> -> memref<1x2x8x128xf32, #tpu.memory_space<vmem>>
            %dma_start3A_88 = tpu.memref_squeeze %dma_start3A_87 : memref<1x2x8x128xf32, #tpu.memory_space<vmem>> -> memref<2x8x128xf32, #tpu.memory_space<vmem>>
            tpu.enqueue_dma source(%dma_start3A_88 : memref<2x8x128xf32, #tpu.memory_space<vmem>>) target(%dma_start3A_83 : memref<2x8x128xf32, #tpu.memory_space<hbm>>) target_semaphore(%run_scoped3A_70 : memref<!tpu.dma_semaphore, #tpu.memory_space<semaphore_mem>>)
            %dma_wait3A_89 = arith.constant 0 : i32
            %dma_wait3A_90 = arith.constant 0 : i32
            %dma_wait3A_91 = arith.constant 0 : i32
            %dma_wait3A_92 = tpu.memref_slice %arg8[%run_scoped3A_60, %dma_wait3A_89, %dma_wait3A_90, %dma_wait3A_91] : memref<8x2x8x128xf32, #tpu.memory_space<vmem>> -> memref<1x2x8x128xf32, #tpu.memory_space<vmem>>
            %dma_wait3A_93 = tpu.memref_squeeze %dma_wait3A_92 : memref<1x2x8x128xf32, #tpu.memory_space<vmem>> -> memref<2x8x128xf32, #tpu.memory_space<vmem>>
            %dma_wait3A_94 = arith.constant 0 : i32
            %dma_wait3A_95 = arith.constant 0 : i32
            %dma_wait3A_96 = tpu.memref_slice %arg5[%add3A_15, %run_scoped3A_61, %mul3A_59, %dma_wait3A_94, %dma_wait3A_95] : memref<200x8x32x8x128xf32, #tpu.memory_space<hbm>> -> memref<1x1x2x8x128xf32, #tpu.memory_space<hbm>>
            %dma_wait3A_97 = tpu.memref_squeeze %dma_wait3A_96 : memref<1x1x2x8x128xf32, #tpu.memory_space<hbm>> -> memref<2x8x128xf32, #tpu.memory_space<hbm>>
            %dma_wait3A_98 = arith.constant 0 : i32
            %dma_wait3A_99 = arith.constant 0 : i32
            %dma_wait3A_100 = tpu.memref_slice %arg5[%add3A_15, %run_scoped3A_61, %mul3A_59, %dma_wait3A_98, %dma_wait3A_99] : memref<200x8x32x8x128xf32, #tpu.memory_space<hbm>> -> memref<1x1x2x8x128xf32, #tpu.memory_space<hbm>>
            %dma_wait3A_101 = tpu.memref_squeeze %dma_wait3A_100 : memref<1x1x2x8x128xf32, #tpu.memory_space<hbm>> -> memref<2x8x128xf32, #tpu.memory_space<hbm>>
            %dma_wait3A_102 = arith.constant 0 : i32
            %dma_wait3A_103 = arith.constant 0 : i32
            %dma_wait3A_104 = arith.constant 0 : i32
            %dma_wait3A_105 = tpu.memref_slice %arg8[%run_scoped3A_60, %dma_wait3A_102, %dma_wait3A_103, %dma_wait3A_104] : memref<8x2x8x128xf32, #tpu.memory_space<vmem>> -> memref<1x2x8x128xf32, #tpu.memory_space<vmem>>
            %dma_wait3A_106 = tpu.memref_squeeze %dma_wait3A_105 : memref<1x2x8x128xf32, #tpu.memory_space<vmem>> -> memref<2x8x128xf32, #tpu.memory_space<vmem>>
            tpu.wait_dma2 semaphore(%run_scoped3A_70 : memref<!tpu.dma_semaphore, #tpu.memory_space<semaphore_mem>>) src(%dma_wait3A_106 : memref<2x8x128xf32, #tpu.memory_space<vmem>>) dst(%dma_wait3A_101 : memref<2x8x128xf32, #tpu.memory_space<hbm>>)
            tpu.yield
          }) : () -> ()
          %mul3A_62 = arith.constant 2 : i32
          %mul3A_63 = arith.muli %scan3A_24, %mul3A_62 : i32
          %run_scoped3A_64 = arith.constant 6 : i32
          %run_scoped3A_65 = arith.constant 6 : i32
          "tpu.region"() ({
            %run_scoped3A_70 = tpu.sem_alloc : memref<!tpu.dma_semaphore, #tpu.memory_space<semaphore_mem>>
            %dma_start3A_71 = arith.constant 0 : i32
            %dma_start3A_72 = arith.constant 0 : i32
            %dma_start3A_73 = arith.constant 0 : i32
            %dma_start3A_74 = tpu.memref_slice %arg8[%run_scoped3A_64, %dma_start3A_71, %dma_start3A_72, %dma_start3A_73] : memref<8x2x8x128xf32, #tpu.memory_space<vmem>> -> memref<1x2x8x128xf32, #tpu.memory_space<vmem>>
            %dma_start3A_75 = tpu.memref_squeeze %dma_start3A_74 : memref<1x2x8x128xf32, #tpu.memory_space<vmem>> -> memref<2x8x128xf32, #tpu.memory_space<vmem>>
            %dma_start3A_76 = arith.constant 0 : i32
            %dma_start3A_77 = arith.constant 0 : i32
            %dma_start3A_78 = tpu.memref_slice %arg5[%add3A_15, %run_scoped3A_65, %mul3A_63, %dma_start3A_76, %dma_start3A_77] : memref<200x8x32x8x128xf32, #tpu.memory_space<hbm>> -> memref<1x1x2x8x128xf32, #tpu.memory_space<hbm>>
            %dma_start3A_79 = tpu.memref_squeeze %dma_start3A_78 : memref<1x1x2x8x128xf32, #tpu.memory_space<hbm>> -> memref<2x8x128xf32, #tpu.memory_space<hbm>>
            %dma_start3A_80 = arith.constant 0 : i32
            %dma_start3A_81 = arith.constant 0 : i32
            %dma_start3A_82 = tpu.memref_slice %arg5[%add3A_15, %run_scoped3A_65, %mul3A_63, %dma_start3A_80, %dma_start3A_81] : memref<200x8x32x8x128xf32, #tpu.memory_space<hbm>> -> memref<1x1x2x8x128xf32, #tpu.memory_space<hbm>>
            %dma_start3A_83 = tpu.memref_squeeze %dma_start3A_82 : memref<1x1x2x8x128xf32, #tpu.memory_space<hbm>> -> memref<2x8x128xf32, #tpu.memory_space<hbm>>
            %dma_start3A_84 = arith.constant 0 : i32
            %dma_start3A_85 = arith.constant 0 : i32
            %dma_start3A_86 = arith.constant 0 : i32
            %dma_start3A_87 = tpu.memref_slice %arg8[%run_scoped3A_64, %dma_start3A_84, %dma_start3A_85, %dma_start3A_86] : memref<8x2x8x128xf32, #tpu.memory_space<vmem>> -> memref<1x2x8x128xf32, #tpu.memory_space<vmem>>
            %dma_start3A_88 = tpu.memref_squeeze %dma_start3A_87 : memref<1x2x8x128xf32, #tpu.memory_space<vmem>> -> memref<2x8x128xf32, #tpu.memory_space<vmem>>
            tpu.enqueue_dma source(%dma_start3A_88 : memref<2x8x128xf32, #tpu.memory_space<vmem>>) target(%dma_start3A_83 : memref<2x8x128xf32, #tpu.memory_space<hbm>>) target_semaphore(%run_scoped3A_70 : memref<!tpu.dma_semaphore, #tpu.memory_space<semaphore_mem>>)
            %dma_wait3A_89 = arith.constant 0 : i32
            %dma_wait3A_90 = arith.constant 0 : i32
            %dma_wait3A_91 = arith.constant 0 : i32
            %dma_wait3A_92 = tpu.memref_slice %arg8[%run_scoped3A_64, %dma_wait3A_89, %dma_wait3A_90, %dma_wait3A_91] : memref<8x2x8x128xf32, #tpu.memory_space<vmem>> -> memref<1x2x8x128xf32, #tpu.memory_space<vmem>>
            %dma_wait3A_93 = tpu.memref_squeeze %dma_wait3A_92 : memref<1x2x8x128xf32, #tpu.memory_space<vmem>> -> memref<2x8x128xf32, #tpu.memory_space<vmem>>
            %dma_wait3A_94 = arith.constant 0 : i32
            %dma_wait3A_95 = arith.constant 0 : i32
            %dma_wait3A_96 = tpu.memref_slice %arg5[%add3A_15, %run_scoped3A_65, %mul3A_63, %dma_wait3A_94, %dma_wait3A_95] : memref<200x8x32x8x128xf32, #tpu.memory_space<hbm>> -> memref<1x1x2x8x128xf32, #tpu.memory_space<hbm>>
            %dma_wait3A_97 = tpu.memref_squeeze %dma_wait3A_96 : memref<1x1x2x8x128xf32, #tpu.memory_space<hbm>> -> memref<2x8x128xf32, #tpu.memory_space<hbm>>
            %dma_wait3A_98 = arith.constant 0 : i32
            %dma_wait3A_99 = arith.constant 0 : i32
            %dma_wait3A_100 = tpu.memref_slice %arg5[%add3A_15, %run_scoped3A_65, %mul3A_63, %dma_wait3A_98, %dma_wait3A_99] : memref<200x8x32x8x128xf32, #tpu.memory_space<hbm>> -> memref<1x1x2x8x128xf32, #tpu.memory_space<hbm>>
            %dma_wait3A_101 = tpu.memref_squeeze %dma_wait3A_100 : memref<1x1x2x8x128xf32, #tpu.memory_space<hbm>> -> memref<2x8x128xf32, #tpu.memory_space<hbm>>
            %dma_wait3A_102 = arith.constant 0 : i32
            %dma_wait3A_103 = arith.constant 0 : i32
            %dma_wait3A_104 = arith.constant 0 : i32
            %dma_wait3A_105 = tpu.memref_slice %arg8[%run_scoped3A_64, %dma_wait3A_102, %dma_wait3A_103, %dma_wait3A_104] : memref<8x2x8x128xf32, #tpu.memory_space<vmem>> -> memref<1x2x8x128xf32, #tpu.memory_space<vmem>>
            %dma_wait3A_106 = tpu.memref_squeeze %dma_wait3A_105 : memref<1x2x8x128xf32, #tpu.memory_space<vmem>> -> memref<2x8x128xf32, #tpu.memory_space<vmem>>
            tpu.wait_dma2 semaphore(%run_scoped3A_70 : memref<!tpu.dma_semaphore, #tpu.memory_space<semaphore_mem>>) src(%dma_wait3A_106 : memref<2x8x128xf32, #tpu.memory_space<vmem>>) dst(%dma_wait3A_101 : memref<2x8x128xf32, #tpu.memory_space<hbm>>)
            tpu.yield
          }) : () -> ()
          %mul3A_66 = arith.constant 2 : i32
          %mul3A_67 = arith.muli %scan3A_24, %mul3A_66 : i32
          %run_scoped3A_68 = arith.constant 7 : i32
          %run_scoped3A_69 = arith.constant 7 : i32
          "tpu.region"() ({
            %run_scoped3A_70 = tpu.sem_alloc : memref<!tpu.dma_semaphore, #tpu.memory_space<semaphore_mem>>
            %dma_start3A_71 = arith.constant 0 : i32
            %dma_start3A_72 = arith.constant 0 : i32
            %dma_start3A_73 = arith.constant 0 : i32
            %dma_start3A_74 = tpu.memref_slice %arg8[%run_scoped3A_68, %dma_start3A_71, %dma_start3A_72, %dma_start3A_73] : memref<8x2x8x128xf32, #tpu.memory_space<vmem>> -> memref<1x2x8x128xf32, #tpu.memory_space<vmem>>
            %dma_start3A_75 = tpu.memref_squeeze %dma_start3A_74 : memref<1x2x8x128xf32, #tpu.memory_space<vmem>> -> memref<2x8x128xf32, #tpu.memory_space<vmem>>
            %dma_start3A_76 = arith.constant 0 : i32
            %dma_start3A_77 = arith.constant 0 : i32
            %dma_start3A_78 = tpu.memref_slice %arg5[%add3A_15, %run_scoped3A_69, %mul3A_67, %dma_start3A_76, %dma_start3A_77] : memref<200x8x32x8x128xf32, #tpu.memory_space<hbm>> -> memref<1x1x2x8x128xf32, #tpu.memory_space<hbm>>
            %dma_start3A_79 = tpu.memref_squeeze %dma_start3A_78 : memref<1x1x2x8x128xf32, #tpu.memory_space<hbm>> -> memref<2x8x128xf32, #tpu.memory_space<hbm>>
            %dma_start3A_80 = arith.constant 0 : i32
            %dma_start3A_81 = arith.constant 0 : i32
            %dma_start3A_82 = tpu.memref_slice %arg5[%add3A_15, %run_scoped3A_69, %mul3A_67, %dma_start3A_80, %dma_start3A_81] : memref<200x8x32x8x128xf32, #tpu.memory_space<hbm>> -> memref<1x1x2x8x128xf32, #tpu.memory_space<hbm>>
            %dma_start3A_83 = tpu.memref_squeeze %dma_start3A_82 : memref<1x1x2x8x128xf32, #tpu.memory_space<hbm>> -> memref<2x8x128xf32, #tpu.memory_space<hbm>>
            %dma_start3A_84 = arith.constant 0 : i32
            %dma_start3A_85 = arith.constant 0 : i32
            %dma_start3A_86 = arith.constant 0 : i32
            %dma_start3A_87 = tpu.memref_slice %arg8[%run_scoped3A_68, %dma_start3A_84, %dma_start3A_85, %dma_start3A_86] : memref<8x2x8x128xf32, #tpu.memory_space<vmem>> -> memref<1x2x8x128xf32, #tpu.memory_space<vmem>>
            %dma_start3A_88 = tpu.memref_squeeze %dma_start3A_87 : memref<1x2x8x128xf32, #tpu.memory_space<vmem>> -> memref<2x8x128xf32, #tpu.memory_space<vmem>>
            tpu.enqueue_dma source(%dma_start3A_88 : memref<2x8x128xf32, #tpu.memory_space<vmem>>) target(%dma_start3A_83 : memref<2x8x128xf32, #tpu.memory_space<hbm>>) target_semaphore(%run_scoped3A_70 : memref<!tpu.dma_semaphore, #tpu.memory_space<semaphore_mem>>)
            %dma_wait3A_89 = arith.constant 0 : i32
            %dma_wait3A_90 = arith.constant 0 : i32
            %dma_wait3A_91 = arith.constant 0 : i32
            %dma_wait3A_92 = tpu.memref_slice %arg8[%run_scoped3A_68, %dma_wait3A_89, %dma_wait3A_90, %dma_wait3A_91] : memref<8x2x8x128xf32, #tpu.memory_space<vmem>> -> memref<1x2x8x128xf32, #tpu.memory_space<vmem>>
            %dma_wait3A_93 = tpu.memref_squeeze %dma_wait3A_92 : memref<1x2x8x128xf32, #tpu.memory_space<vmem>> -> memref<2x8x128xf32, #tpu.memory_space<vmem>>
            %dma_wait3A_94 = arith.constant 0 : i32
            %dma_wait3A_95 = arith.constant 0 : i32
            %dma_wait3A_96 = tpu.memref_slice %arg5[%add3A_15, %run_scoped3A_69, %mul3A_67, %dma_wait3A_94, %dma_wait3A_95] : memref<200x8x32x8x128xf32, #tpu.memory_space<hbm>> -> memref<1x1x2x8x128xf32, #tpu.memory_space<hbm>>
            %dma_wait3A_97 = tpu.memref_squeeze %dma_wait3A_96 : memref<1x1x2x8x128xf32, #tpu.memory_space<hbm>> -> memref<2x8x128xf32, #tpu.memory_space<hbm>>
            %dma_wait3A_98 = arith.constant 0 : i32
            %dma_wait3A_99 = arith.constant 0 : i32
            %dma_wait3A_100 = tpu.memref_slice %arg5[%add3A_15, %run_scoped3A_69, %mul3A_67, %dma_wait3A_98, %dma_wait3A_99] : memref<200x8x32x8x128xf32, #tpu.memory_space<hbm>> -> memref<1x1x2x8x128xf32, #tpu.memory_space<hbm>>
            %dma_wait3A_101 = tpu.memref_squeeze %dma_wait3A_100 : memref<1x1x2x8x128xf32, #tpu.memory_space<hbm>> -> memref<2x8x128xf32, #tpu.memory_space<hbm>>
            %dma_wait3A_102 = arith.constant 0 : i32
            %dma_wait3A_103 = arith.constant 0 : i32
            %dma_wait3A_104 = arith.constant 0 : i32
            %dma_wait3A_105 = tpu.memref_slice %arg8[%run_scoped3A_68, %dma_wait3A_102, %dma_wait3A_103, %dma_wait3A_104] : memref<8x2x8x128xf32, #tpu.memory_space<vmem>> -> memref<1x2x8x128xf32, #tpu.memory_space<vmem>>
            %dma_wait3A_106 = tpu.memref_squeeze %dma_wait3A_105 : memref<1x2x8x128xf32, #tpu.memory_space<vmem>> -> memref<2x8x128xf32, #tpu.memory_space<vmem>>
            tpu.wait_dma2 semaphore(%run_scoped3A_70 : memref<!tpu.dma_semaphore, #tpu.memory_space<semaphore_mem>>) src(%dma_wait3A_106 : memref<2x8x128xf32, #tpu.memory_space<vmem>>) dst(%dma_wait3A_101 : memref<2x8x128xf32, #tpu.memory_space<hbm>>)
            tpu.yield
          }) : () -> ()
        }
        %scan3A_23 = arith.constant 16 : i32
      } else {
      }
    }
    %scan3A_11 = arith.constant 7 : i32
    return
  }
}

module attributes {stable_mosaic.version = 14 : i64} {
  func.func @_renorm_body(%arg0: i32, %arg1: memref<200x64xf32, #tpu.memory_space<vmem>>, %arg2: memref<200x64xf32, #tpu.memory_space<vmem>>) attributes {dimension_semantics = [#tpu.dimension_semantics<arbitrary>], iteration_bounds = array<i64: 1>, scalar_prefetch = 0 : i64, scratch_operands = 0 : i64, tpu.core_type = #tpu.core_type<tc>, window_params = [{transform_indices = @transform_0, window_bounds = array<i64: 200, 64>}, {transform_indices = @transform_1, window_bounds = array<i64: 200, 64>}]} {
    %get3A = arith.constant 0 : index
    %get3A_0 = arith.constant 0 : index
    %get3A_1 = vector.load %arg1[%get3A, %get3A_0] : memref<200x64xf32, #tpu.memory_space<vmem>>, vector<200x64xf32>
    %mul3A = arith.mulf %get3A_1, %get3A_1 : vector<200x64xf32>
    %reduce_sum3A = arith.constant dense<0.000000e+00> : vector<200xf32>
    %reduce_sum3A_2 = vector.multi_reduction <add>, %mul3A, %reduce_sum3A [1] : vector<200x64xf32> to vector<200xf32>
    %broadcast_in_dim3A = vector.shape_cast %reduce_sum3A_2 : vector<200xf32> to vector<200x1xf32>
    %sqrt3A = math.sqrt %broadcast_in_dim3A : vector<200x1xf32>
    %gt3A = arith.constant 1.000000e+00 : f32
    %gt3A_3 = vector.broadcast %gt3A : f32 to vector<200x1xf32>
    %gt3A_4 = arith.cmpf ogt, %sqrt3A, %gt3A_3 : vector<200x1xf32>
    %add3A = arith.constant 1.000000e-07 : f32
    %add3A_5 = vector.broadcast %add3A : f32 to vector<200x1xf32>
    %add3A_6 = arith.addf %sqrt3A, %add3A_5 : vector<200x1xf32>
    %div3A = arith.constant 1.000000e+00 : f32
    %div3A_7 = vector.broadcast %div3A : f32 to vector<200x1xf32>
    %div3A_8 = arith.divf %div3A_7, %add3A_6 : vector<200x1xf32>
    %jit3A = arith.constant 1.000000e+00 : f32
    %broadcast_in_dim3A_9 = vector.broadcast %jit3A : f32 to vector<200x1xf32>
    %select_n3A = arith.select %gt3A_4, %div3A_8, %broadcast_in_dim3A_9 : vector<200x1xi1>, vector<200x1xf32>
    %mul3A_10 = vector.broadcast %select_n3A : vector<200x1xf32> to vector<200x64xf32>
    %mul3A_11 = arith.mulf %get3A_1, %mul3A_10 : vector<200x64xf32>
    %swap3A = arith.constant 0 : index
    %swap3A_12 = arith.constant 0 : index
    %swap3A_13 = vector.load %arg2[%swap3A, %swap3A_12] : memref<200x64xf32, #tpu.memory_space<vmem>>, vector<200x64xf32>
    tpu.vector_store %arg2[%swap3A, %swap3A_12], %mul3A_11 {strides = array<i32>} : memref<200x64xf32, #tpu.memory_space<vmem>>, vector<200x64xf32>,
    return
  }
  func.func @transform_0(%arg0: i32) -> (i32, i32) {
    %c0_i32 = arith.constant 0 : i32
    %c0_i32_0 = arith.constant 0 : i32
    return %arg0, %c0_i32 : i32, i32
  }
  func.func @transform_1(%arg0: i32) -> (i32, i32) {
    %c0_i32 = arith.constant 0 : i32
    %c0_i32_0 = arith.constant 0 : i32
    return %arg0, %c0_i32 : i32, i32
  }
}

module attributes {stable_mosaic.version = 14 : i64} {
  func.func @_renorm_body(%arg0: i32, %arg1: memref<1000x64xf32, #tpu.memory_space<vmem>>, %arg2: memref<1000x64xf32, #tpu.memory_space<vmem>>) attributes {dimension_semantics = [#tpu.dimension_semantics<arbitrary>], iteration_bounds = array<i64: 100>, scalar_prefetch = 0 : i64, scratch_operands = 0 : i64, tpu.core_type = #tpu.core_type<tc>, window_params = [{transform_indices = @transform_0, window_bounds = array<i64: 1000, 64>}, {transform_indices = @transform_1, window_bounds = array<i64: 1000, 64>}]} {
    %get3A = arith.constant 0 : index
    %get3A_0 = arith.constant 0 : index
    %get3A_1 = vector.load %arg1[%get3A, %get3A_0] : memref<1000x64xf32, #tpu.memory_space<vmem>>, vector<1000x64xf32>
    %mul3A = arith.mulf %get3A_1, %get3A_1 : vector<1000x64xf32>
    %reduce_sum3A = arith.constant dense<0.000000e+00> : vector<1000xf32>
    %reduce_sum3A_2 = vector.multi_reduction <add>, %mul3A, %reduce_sum3A [1] : vector<1000x64xf32> to vector<1000xf32>
    %broadcast_in_dim3A = vector.shape_cast %reduce_sum3A_2 : vector<1000xf32> to vector<1000x1xf32>
    %sqrt3A = math.sqrt %broadcast_in_dim3A : vector<1000x1xf32>
    %gt3A = arith.constant 1.000000e+00 : f32
    %gt3A_3 = vector.broadcast %gt3A : f32 to vector<1000x1xf32>
    %gt3A_4 = arith.cmpf ogt, %sqrt3A, %gt3A_3 : vector<1000x1xf32>
    %add3A = arith.constant 1.000000e-07 : f32
    %add3A_5 = vector.broadcast %add3A : f32 to vector<1000x1xf32>
    %add3A_6 = arith.addf %sqrt3A, %add3A_5 : vector<1000x1xf32>
    %div3A = arith.constant 1.000000e+00 : f32
    %div3A_7 = vector.broadcast %div3A : f32 to vector<1000x1xf32>
    %div3A_8 = arith.divf %div3A_7, %add3A_6 : vector<1000x1xf32>
    %jit3A = arith.constant 1.000000e+00 : f32
    %broadcast_in_dim3A_9 = vector.broadcast %jit3A : f32 to vector<1000x1xf32>
    %select_n3A = arith.select %gt3A_4, %div3A_8, %broadcast_in_dim3A_9 : vector<1000x1xi1>, vector<1000x1xf32>
    %mul3A_10 = vector.broadcast %select_n3A : vector<1000x1xf32> to vector<1000x64xf32>
    %mul3A_11 = arith.mulf %get3A_1, %mul3A_10 : vector<1000x64xf32>
    %swap3A = arith.constant 0 : index
    %swap3A_12 = arith.constant 0 : index
    %swap3A_13 = vector.load %arg2[%swap3A, %swap3A_12] : memref<1000x64xf32, #tpu.memory_space<vmem>>, vector<1000x64xf32>
    tpu.vector_store %arg2[%swap3A, %swap3A_12], %mul3A_11 {strides = array<i32>} : memref<1000x64xf32, #tpu.memory_space<vmem>>, vector<1000x64xf32>,
    return
  }
  func.func @transform_0(%arg0: i32) -> (i32, i32) {
    %c0_i32 = arith.constant 0 : i32
    %c0_i32_0 = arith.constant 0 : i32
    return %arg0, %c0_i32 : i32, i32
  }
  func.func @transform_1(%arg0: i32) -> (i32, i32) {
    %c0_i32 = arith.constant 0 : i32
    %c0_i32_0 = arith.constant 0 : i32
    return %arg0, %c0_i32 : i32, i32
  }
}

</mosaic_0001>

<sc_bundles>
// kernel: kernel.5.cloned.1.call-start
scs
__scs_entry_jumppad:
0x0: {  	(pc) =	sbr.rel $0x88, $3  }
0x1: {  	(tag) =	ssettag $0x0;
	lr =	simm.s32 $0x1  }
0x2: {  	[smem:$0x3F9E] =	sst lr;
	_ =	strace $0xD0000000  }
0x3: {  	_ = 	snop  }
0x4: {  	_ = 	snop  }
0x5: {  	_ = 	snop  }
0x6: {  	_ = 	snop  }
0x7: {  	_ = 	snop  }
__scs_overlays_trampoline_lowered:
0x8: {  	[smem:$0x3FAD] =	sst s0  }
0x9: {  	[smem:$0x3FAE] =	sst s1  }
0xa: {  	[smem:$0x3FAF] =	sst s2  }
0xb: {  	[smem:$0x3FB0] =	sst s3  }
0xc: {  	[smem:$0x3FB1] =	sst s4  }
0xd: {  	[smem:$0x3FB2] =	sst s5  }
0xe: {  	[smem:$0x3FB3] =	sst s6  }
0xf: {  	[smem:$0x3FB4] =	sst s7  }
0x10: {  	[smem:$0x3FB5] =	sst s8  }
0x11: {  	[smem:$0x3FB6] =	sst s9;
	s0 =	simm.s32 @!p0 $0x0  }
0x12: {  	s1 =	sld [smem:$0x3F9C];
	s0 =	simm.s32 @p0 $0x1  }
0x13: {  	[smem:$0x3FB7] =	sst s0;
	s0 =	simm.s32 @!p1 $0x0  }
0x14: {  	s2 =	sld [smem:$0x3F9B];
	s0 =	simm.s32 @p1 $0x1  }
0x15: {  	[smem:$0x3FB8] =	sst s0;
	s0 =	simm.s32 @!p2 $0x0  }
0x16: {  	s3 =	sld [smem:$0x3FDB];
	s0 =	simm.s32 @p2 $0x1  }
0x17: {  	s4 =	simm.s32 $0x1BF5;
	[smem:$0x3FBA] =	sst s0  }
0x18: {  	s0 =	sld [smem:$0x3F9D];
	_ =	swait.ge [sflag:s4], $0x0  }
0x19: {  	s7 =	sld [smem:$0x3F9E]  }
0x1a: {  	s8 =	sadd.s32 $0xFFFFE003, lr  }
0x1b: {  	s9 =	sadd.s32 $0xFFFFFEF7, lr;
	s5 =	simm.s32 $0xFFFFFFFF;
	p2 =	slt.u32 s8, $0xFFFFF086  }
0x1c: {  	p1 =	slt.u32 s9, $0xF7A;
	s5 =	simm.s32 @!p2 $0x0  }
0x1d: {  	s5 =	simm.s32 @p1 $0x1;
	p0 =	seq.s32 s7, s2  }
0x1e: {  	s7 =	smul.u32 @!p0 $0xF7A, s2;
	p2 =	seq.s32 @!p0 s5, $0x0  }
0x1f: {  	s9 =	smul.u32 $0xF7A, s1;
	s8 =	simm.s32 @!p0 $0x1BF5;
	p2 =	por !p2, p0  }
0x20: {  	[sflag:s8] =	ssyncset.s32 @!p0 $0xFFFFF086;
	s6 =	sadd.s32 @!p0 s3, s7;
	s7 =	simm.s32 @!p0 $0x108  }
0x21: {  	s3 =	sadd.s32 s3, s9;
	s6 =	sadd.s32 @!p0 $0x88, s6;
	s7 =	simm.s32 @p2 $0x1082  }
0x22: {  	[simem:s7], [sflag:s8] =	dma.local @!p0 [hbm:s6], $0xF7A  }
0x23: {  	s9 =	sor.u32 $0xD0000000, s2;
	s6 =	simm.s32 $0x108;
	_ =	swait.ge @!p0 [sflag:s8], $0x0  }
0x24: {  	s3 =	sadd.s32 $0x88, s3;
	s6 =	simm.s32 @!p1 $0x1082;
	[sflag:s4] =	ssyncset.s32 $0xFFFFF086  }
0x25: {  	[simem:s6], [sflag:s4] =	dma.local [hbm:s3], $0xF7A  }
0x26: {  	[smem:$0x3F9E] =	sst s1;
	(tag) =	ssettag s2;
	_ =	strace s9  }
0x27: {  	s1 =	sld [smem:$0x3FAE]  }
0x28: {  	s2 =	sld [smem:$0x3FAF]  }
0x29: {  	s4 =	sld [smem:$0x3FB1]  }
0x2a: {  	p0 =	seq.s32 s5, $0x0;
	s5 =	sld [smem:$0x3FB2]  }
0x2b: {  	s6 =	sld [smem:$0x3FB3]  }
0x2c: {  	s7 =	sld [smem:$0x3FB4]  }
0x2d: {  	s3 =	simm.s32 $0x108;
	s8 =	sld [smem:$0x3FB5]  }
0x2e: {  	s3 =	simm.s32 @!p0 $0x1082;
	s9 =	sld [smem:$0x3FB6]  }
0x2f: {  	lr =	sadd.s32 s0, s3;
	s0 =	sld [smem:$0x3FAD]  }
0x30: {  	s3 =	sld [smem:$0x3FB0]  }
0x31: {  	[smem:$0x3FB9] =	sst s10  }
0x32: {  	s10 =	sld [smem:$0x3FB7];
	_ =	sdelay $0x3  }
0x33: {  	p0 =	seq.s32 s10, $0x1;
	s10 =	sld [smem:$0x3FB9];
	_ =	sdelay $0x3  }
0x34: {  	[smem:$0x3FB9] =	sst s10  }
0x35: {  	s10 =	sld [smem:$0x3FB8];
	_ =	sdelay $0x3  }
0x36: {  	p1 =	seq.s32 s10, $0x1;
	s10 =	sld [smem:$0x3FB9];
	_ =	sdelay $0x3  }
0x37: {  	[smem:$0x3FB9] =	sst s10  }
0x38: {  	s10 =	sld [smem:$0x3FBA]  }
0x39: {  	_ = 	snop;
	(pc) =	sbr.ind lr, $3  }
0x3a: {  	_ = 	snop  }
0x3b: {  	_ = 	snop  }
0x3c: {  	p2 =	seq.s32 s10, $0x1;
	s10 =	sld [smem:$0x3FB9]  }
0x3d: {  	_ =	shalt  }
0x3e: {  	_ =	shalt  }
0x3f: {  	_ =	shalt  }
0x40: {  	_ =	shalt  }
0x41: {  	_ =	shalt  }
0x42: {  	_ =	shalt  }
0x43: {  	_ =	shalt  }
0x44: {  	_ =	shalt  }
0x45: {  	_ =	shalt  }
0x46: {  	_ =	shalt  }
0x47: {  	_ =	shalt  }
0x48: {  	_ =	shalt  }
0x49: {  	_ =	shalt  }
0x4a: {  	_ =	shalt  }
0x4b: {  	_ =	shalt  }
0x4c: {  	_ =	shalt  }
0x4d: {  	_ =	shalt  }
0x4e: {  	_ =	shalt  }
0x4f: {  	_ =	shalt  }
0x50: {  	_ =	shalt  }
0x51: {  	_ =	shalt  }
0x52: {  	_ =	shalt  }
0x53: {  	_ =	shalt  }
0x54: {  	_ =	shalt  }
0x55: {  	_ =	shalt  }
0x56: {  	_ =	shalt  }
0x57: {  	_ =	shalt  }
0x58: {  	_ =	shalt  }
0x59: {  	_ =	shalt  }
0x5a: {  	_ =	shalt  }
0x5b: {  	_ =	shalt  }
0x5c: {  	_ =	shalt  }
0x5d: {  	_ =	shalt  }
0x5e: {  	_ =	shalt  }
0x5f: {  	_ =	shalt  }
0x60: {  	_ =	shalt  }
0x61: {  	_ =	shalt  }
0x62: {  	_ =	shalt  }
0x63: {  	_ =	shalt  }
0x64: {  	_ =	shalt  }
0x65: {  	_ =	shalt  }
0x66: {  	_ =	shalt  }
0x67: {  	_ =	shalt  }
0x68: {  	_ =	shalt  }
0x69: {  	_ =	shalt  }
0x6a: {  	_ =	shalt  }
0x6b: {  	_ =	shalt  }
0x6c: {  	_ =	shalt  }
0x6d: {  	_ =	shalt  }
0x6e: {  	_ =	shalt  }
0x6f: {  	_ =	shalt  }
0x70: {  	_ =	shalt  }
0x71: {  	_ =	shalt  }
0x72: {  	_ =	shalt  }
0x73: {  	_ =	shalt  }
0x74: {  	_ =	shalt  }
0x75: {  	_ =	shalt  }
0x76: {  	_ =	shalt  }
0x77: {  	_ =	shalt  }
0x78: {  	_ =	shalt  }
0x79: {  	_ =	shalt  }
0x7a: {  	_ =	shalt  }
0x7b: {  	_ =	shalt  }
0x7c: {  	_ =	shalt  }
0x7d: {  	_ =	shalt  }
0x7e: {  	_ =	shalt  }
0x7f: {  	_ =	shalt  }
0x80: {  	_ =	shalt  }
0x81: {  	_ =	shalt  }
0x82: {  	_ =	shalt  }
0x83: {  	_ =	shalt  }
0x84: {  	_ =	shalt  }
0x85: {  	_ =	shalt  }
0x86: {  	_ =	shalt  }
0x87: {  	_ =	shalt  }
.Lfunc_end0:
.L_simem_size_0:
called_computation_lowered:
.L_overlay_start_0:
0x88: {  	s2 =	sld [smem:$0x3FD9]  }
0x89: {  	s3 =	sld [smem:$0x3FFE];
	_ =	sdelay $0x1  }
0x8a: {  	s1 =	srdreg.scid  }
0x8b: {  	s0 =	sand.u32 $0x1, s1  }
0x8c: {  	s17 =	sshll.u32 s0, $0xA;
	s2 =	sadd.s32 s3, s2  }
0x8d: {  	s2 =	sadd.s32 s2, s17  }
0x8e: {  	[smem:$0x3FC5] =	sst s2  }
0x8f: {  	_ = 	snop  }
0x90: {  	s2 =	sld [smem:$0x3FD0];
	(tm) =	ssettm $0x1  }
0x91: {  	s18 =	sld [smem:$0x3FFB];
	_ =	sdelay $0x3  }
0x92: {  	_ =	strace s18  }
0x93: {  	s3 =	sld [smem:$0x3FFC];
	_ =	sdelay $0x3  }
0x94: {  	_ =	strace s3  }
0x95: {  	s3 =	sld [smem:$0x3FFD];
	_ =	sdelay $0x3  }
0x96: {  	_ =	strace s3  }
0x97: {  	_ =	strace $0x8FFFFFFF  }
0x98: {  	s19 =	sld [smem:$0x3FDB];
	_ =	sdelay $0x1  }
0x99: {  	s4 =	simm.s32 $_scs_section_size  }
0x9a: {  	s5 =	simm.s32 $_size__tile_overlayer_lowered;
	s6 =	simm.s32 $_tile_overlayer_lowered  }
0x9b: {  	s22 =	simm.s32 $0x1BFF;
	s21 =	sshll.u32 s6, $0x1;
	s3 =	sadd.s32 s4, s19  }
0x9c: {  	s7 =	simm.s32 $0x0;
	s20 =	sshll.u32 s5, $0x1;
	s5 =	sadd.s32 s21, s3  }
0x9d: {  	[timem:s7], [sflag:s22] =	dma.local [hbm:s5], s20  }
0x9e: {  	_ =	swait.ge [sflag:s22], s20  }
0x9f: {  	s4 =	ssub.s32 $0x0, s20;
	[sflag:s22] =	ssyncset.done $0x0  }
0xa0: {  	[sflag:s22] =	ssyncadd.s32 s4;
	_ =	sdelay $0x1  }
0xa1: {  	s23 =	simm.s32 $0x1B8B  }
0xa2: {  	_ =	swait.ge [sflag:s23], $0x1  }
0xa3: {  	[sflag:s23] =	ssyncset.done $0x0  }
0xa4: {  	s25 =	simm.s32 $0x1B8E;
	s24 =	sld [smem:$0x3FFE];
	[sflag:s23] =	ssyncadd.s32 $0xFFFFFFFF  }
0xa5: {  	s26 =	simm.s32 $execute0_lowered;
	[smem:$0x3FD2] =	sst s25  }
0xa6: {  	s5 =	sshll.u32 s26, $0x1;
	_ =	strace $0x80000046;
	[dreg:$0x1] =	wrdreg $0xFFFFFFFF  }
0xa7: {  	s28 =	simm.s32 $_size_execute0_lowered;
	s3 =	sadd.s32 s3, s5;
	[dreg:$0x0] =	wrdreg $0x0  }
0xa8: {  	s5 =	sshll.u32 s28, $0x1;
	[dreg:$0x2] =	wrdreg s3  }
0xa9: {  	[dreg:$0x3] =	wrdreg s5  }
0xaa: {  	[dreg:$0x4] =	wrdreg $0xC0  }
0xab: {  	_ =	task [dreg:s7], $0x5FFFF  }
0xac: {  	[dreg:$0x1] =	wrdreg $0xFFFFFFFF  }
0xad: {  	[dreg:$0x0] =	wrdreg $0x60  }
0xae: {  	[dreg:$0x2] =	wrdreg s24  }
0xaf: {  	[dreg:$0x3] =	wrdreg s2  }
0xb0: {  	[dreg:$0x4] =	wrdreg $0x9  }
0xb1: {  	_ =	task.clear_ibuf [dreg:s7], $0x5FFFF;
	_ =	strace $0x90000046  }
0xb2: {  	s29 =	simm.s32 $0x9;
	_ =	strace $0x80000048  }
0xb3: {  	_ =	swait.ge [sflag:s29], $0x1  }
0xb4: {  	[sflag:s29] =	ssyncadd.s32 $0xFFFFFFFF  }
0xb5: {  	_ =	strace $0x90000048  }
0xb6: {  	_ =	sfence  }
0xb7: {  	s30 =	sld [smem:$0x0];
	_ =	sdelay $0x2  }
0xb8: {  	s31 =	sshll.u32 s1, $0xD;
	s1 =	sshrl.u32 s1, $0x2  }
0xb9: {  	s3 =	sand.u32 $0x4000, s31;
	s1 =	sadd.s32 s1, s30  }
0xba: {  	s0 =	sor.u32 s3, s0;
	s1 =	sshll.u32 s1, $0x11  }
0xbb: {  	s0 =	sor.u32 s1, s0  }
0xbc: {  	s0 =	sadd.s32 $0x8F2B, s0  }
0xbd: {  	[sflag:s0] =	ssyncadd.remote.s32 $0x1  }
0xbe: {  	_ =	sfence.sel $0xFFFF  }
0xbf: {  	[dreg:$0x0] =	wrdreg $0xFFFFFFFF;
	(pc) =	sbr.abs _section_cstart, $3  }
0xc0: {  	[dreg:$0x1] =	wrdreg $0xFFFFFFFF  }
0xc1: {  	_ =	task.clear_ibuf [dreg:s7], $0x2FFFF;
	_ =	strace $0x9FFFFFFF  }
0xc2: {  	(tm) =	ssettm $0x7FFFFFFF  }
0xc3: {  	_ =	shalt  }
tec
execute0_lowered:
.L_overlay_start_1:
0x0: {  	(tag) =	ssettag $0x1  }
0x1: {  	s0 =	rddreg [dreg:$0x0]  }
0x2: {  	s8 =	rddreg [dreg:$0x1];
	s2 =	simm.s32 $0x0  }
0x3: {  	s1 =	srdreg.scid;
	s13 =	stileid.u32;
	s18 =	simm.s32 $0x9000  }
0x4: {  	s19 =	simm.s32 $0x2;
	s28 =	simm.s32 $0x7000;
	s29 =	simm.s32 $0x7800  }
0x5: {  	s30 =	simm.s32 $0x8000;
	s31 =	simm.s32 $0x8800;
	s16 =	simm.s32 $0x0  }
0x6: {  	[smem:$0x7FF] =	sst s2;
	s1 =	sand.u32 $0x1, s1;
	s3 =	sadd.s32 $0xC00, s0  }
0x7: {  	s5 =	sadd.s32 $0x1A0600, s0;
	s0 =	sadd.s32 $0x400, s0;
	s9 =	sadd.s32 $0x1000, s8  }
0x8: {  	s10 =	sadd.s32 $0x2000, s8;
	s11 =	sadd.s32 $0x3000, s8;
	s12 =	sadd.s32 $0x4000, s8  }
0x9: {  	s24 =	smul.u32 $0x180, s13;
	s14 =	sadd.s32 $0x6000, s8;
	s15 =	sadd.s32 $0x7000, s8  }
0xa: {  	_ =	strace $0x80000047;
	[dreg:$0x3] =	wrdreg s3;
	s21 =	sshll.u32 s1, $0x4  }
0xb: {  	s4 =	ssub.s32 $0x2, s1;
	[dreg:$0x4] =	wrdreg s0;
	s1 =	smul.u32 $0x1800, s1  }
0xc: {  	v0 =	vlaneseq.u32;
	s3 =	sor.u32 s13, s21;
	s22 =	sshrl.u32 s4, $0x1;
	s13 =	sadd.s32 $0x5000, s8  }
0xd: {  	v0 =	vmul.u32 $0x40, v0;
	s21 =	simm.s32 $0x1000;
	s6 =	smul.u32 $0x6, s3;
	s7 =	smin.u32 s3, $0x8  }
0xe: {  	p0 =	sgt.u32 s3, $0x7;
	s3 =	simm.s32 $0x6;
	s0 =	ssub.s32 s4, s22  }
.Ltmp0:
0xf: {  	v1 =	vor.u32 $0x400, v0;
	v2 =	vor.u32 $0x800, v0;
	v3 =	vor.u32 $0xC00, v0;
	s25 =	sadd.s32 s24, s1;
	s3 =	simm.s32 @!p0 $0x7;
	(pc) =	sbr.rel .LBB2_1-.Ltmp0, $4  }
0x10: {  	v4 =	vor.u32 $0x1000, v0;
	v5 =	vor.u32 $0x1400, v0;
	v6 =	vor.u32 $0x1800, v0;
	s22 =	simm.s32 $0x1;
	s0 =	smax.u32 s0, $0x1;
	[dreg:$0x5] =	wrdreg s3  }
0x11: {  	v7 =	vor.u32 $0x1C00, v0;
	v8 =	vor.u32 $0x2000, v0;
	v9 =	vor.u32 $0x2400, v0;
	s26 =	sshll.u32 s7, $0x6;
	s23 =	sadd.s32 s7, s6;
	[dreg:$0x7] =	wrdreg s0  }
0x12: {  	v10 =	vor.u32 $0x2800, v0;
	v11 =	vor.u32 $0x2C00, v0;
	v12 =	vor.u32 $0x3000, v0;
	s1 =	simm.s32 $0x0;
	s0 =	sadd.s32 s26, s25;
	[dreg:$0x6] =	wrdreg s23  }
0x13: {  	v13 =	vor.u32 $0x3400, v0;
	v14 =	vor.u32 $0x3800, v0;
	v15 =	vor.u32 $0x3C00, v0;
	s25 =	simm.s32 $0x6000;
	s26 =	simm.s32 $0x6800;
	[dreg:$0x8] =	wrdreg s0  }
.LBB2_8:
0x14: {  	s1 =	rddreg [dreg:$0x9]  }
0x15: {  	s0 =	rddreg [dreg:$0x7];
	s1 =	sadd.s32 $0x1, s1  }
0x16: {  	p0 =	sne.s32 s1, s0  }
.Ltmp1:
0x17: {  	_ = 	snop;
	(pc) =	sbr.rel @!p0 .LBB2_9-.Ltmp1, $1  }
0x18: {  	_ =	sdelay $0x3  }
.LBB2_1:
0x19: {  	[dreg:$0x9] =	wrdreg s1  }
.Ltmp2:
0x1a: {  	s0 =	rddreg [dreg:$0x4];
	(pc) =	sbr.rel .LBB2_2-.Ltmp2, $4  }
0x1b: {  	[tilespmem:s18], [sflag:$0x2] =	stream.linear.gather [hbm4b:s0+s2], $0x3200, $0x38;
	[tilespmem:$0xC200] =	vst v63  }
0x1c: {  	_ =	swait.ge [sflag:s19], $0x3200  }
0x1d: {  	[sflag:s19] =	ssyncset.done $0x0  }
0x1e: {  	s6 =	simm.s32 $0x0;
	s17 =	rddreg [dreg:$0x8];
	[sflag:s19] =	ssyncadd.s32 $0xFFFFCE00  }
.LBB2_7:
0x1f: {  	s6 =	sadd.s32 $0x1, s6  }
0x20: {  	p0 =	sne.s32 s6, $0x7  }
.Ltmp3:
0x21: {  	_ = 	snop;
	(pc) =	sbr.rel @!p0 .LBB2_8-.Ltmp3, $2  }
0x22: {  	_ =	sdelay $0x2  }
0x23: {  	s17 =	sadd.s32 $0x40, s17  }
.LBB2_2:
0x24: {  	s0 =	rddreg [dreg:$0x5]  }
0x25: {  	p0 =	sge.u32 s6, s0  }
.Ltmp4:
0x26: {  	_ = 	snop;
	(pc) =	sbr.rel @p0 .LBB2_7-.Ltmp4, $1  }
0x27: {  	_ =	sdelay $0x3  }
0x28: {  	s0 =	rddreg [dreg:$0x6]  }
0x29: {  	s0 =	sadd.s32 s6, s0  }
0x2a: {  	s1 =	sshll.u32 s0, $0x9  }
0x2b: {  	s3 =	rddreg [dreg:$0x3];
	s1 =	sand.u32 $0x1FFFFE00, s1  }
0x2c: {  	s1 =	sadd.s32 s3, s1  }
0x2d: {  	[tilespmem:s16], [sflag:$0x2] =	stream.linear.gather [hbm4b:s1+s16], $0x1000, $0x38;
	[tilespmem:$0xC200] =	vst v63  }
0x2e: {  	_ =	swait.ge [sflag:s19], $0x1000  }
0x2f: {  	[sflag:s19] =	ssyncset.done $0x0  }
0x30: {  	s3 =	sshll.u32 s0, $0xF;
	s0 =	simm.s32 $0x0;
	[sflag:s19] =	ssyncadd.s32 $0xFFFFF000  }
.LBB2_4:
0x31: {  	v16 =	vmov s16  }
0x32: {  	v16 =	vand.u32 $0x3F, v16  }
0x33: {  	s4 =	sshll.u32 s0, $0x8;
	s1 =	sadd.s32 $0x0, s17;
	v17 =	vbroadcast v16, $0x0  }
0x34: {  	s20 =	simm.s32 $0x100;
	s7 =	sand.u32 $0x3FFFFF00, s4;
	v16 =	vmov s1  }
0x35: {  	[tilespmem:s21], [sflag:$0x1] =	stream.indirect.gather [hbm4b:s5+s20], $0x40, s7, s20, $0xb8;
	v18 =	vor.u32 v0, v17;
	[tilespmem:$0xC200] =	vst v63  }
0x36: {  	_ =	swait.ge [sflag:s22], $0x4000  }
0x37: {  	[sflag:s22] =	ssyncset.done $0x0  }
0x38: {  	[sflag:s22] =	ssyncadd.s32 $0xFFFFC000  }
0x39: {  	v16 =	vld.idx.msk [tilespmem:v16+s18+$0x0], $0xffff  }
0x3a: {  	v18 =	vld.idx.msk [tilespmem:v18+s21+$0x0], $0xffff;
	_ =	sdelay $0x2  }
0x3b: {  	v19 =	vor.u32 v1, v17;
	_ =	sdelay $0x1  }
0x3c: {  	s23 =	sand.u32 $0x3800, s16;
	s24 =	sand.u32 $0x380, s16;
	v18 =	vadd.f32 v18, v16  }
0x3d: {  	s8 =	sor.u32 s24, s23  }
0x3e: {  	[tilespmem:s8+$0x5000] =	vst v18  }
0x3f: {  	v18 =	vld.idx.msk [tilespmem:v19+s21+$0x0], $0xffff;
	_ =	sdelay $0x2  }
0x40: {  	v19 =	vor.u32 v2, v17;
	_ =	sdelay $0x1  }
0x41: {  	v18 =	vadd.f32 v18, v16;
	_ =	sdelay $0x1  }
0x42: {  	[tilespmem:s8+$0x5010] =	vst v18  }
0x43: {  	v18 =	vld.idx.msk [tilespmem:v19+s21+$0x0], $0xffff;
	_ =	sdelay $0x2  }
0x44: {  	v19 =	vor.u32 v3, v17;
	_ =	sdelay $0x1  }
0x45: {  	v18 =	vadd.f32 v18, v16;
	_ =	sdelay $0x1  }
0x46: {  	[tilespmem:s8+$0x5020] =	vst v18  }
0x47: {  	v18 =	vld.idx.msk [tilespmem:v19+s21+$0x0], $0xffff;
	_ =	sdelay $0x2  }
0x48: {  	v19 =	vor.u32 v4, v17;
	_ =	sdelay $0x1  }
0x49: {  	v18 =	vadd.f32 v18, v16;
	_ =	sdelay $0x1  }
0x4a: {  	[tilespmem:s8+$0x5030] =	vst v18  }
0x4b: {  	v18 =	vld.idx.msk [tilespmem:v19+s21+$0x0], $0xffff;
	_ =	sdelay $0x2  }
0x4c: {  	v19 =	vor.u32 v5, v17;
	_ =	sdelay $0x1  }
0x4d: {  	v18 =	vadd.f32 v18, v16;
	_ =	sdelay $0x1  }
0x4e: {  	[tilespmem:s8+$0x5040] =	vst v18  }
0x4f: {  	v18 =	vld.idx.msk [tilespmem:v19+s21+$0x0], $0xffff;
	_ =	sdelay $0x2  }
0x50: {  	v19 =	vor.u32 v6, v17;
	_ =	sdelay $0x1  }
0x51: {  	v18 =	vadd.f32 v18, v16;
	_ =	sdelay $0x1  }
0x52: {  	[tilespmem:s8+$0x5050] =	vst v18  }
0x53: {  	v18 =	vld.idx.msk [tilespmem:v19+s21+$0x0], $0xffff;
	_ =	sdelay $0x2  }
0x54: {  	v19 =	vor.u32 v7, v17;
	_ =	sdelay $0x1  }
0x55: {  	v18 =	vadd.f32 v18, v16;
	_ =	sdelay $0x1  }
0x56: {  	[tilespmem:s8+$0x5060] =	vst v18  }
0x57: {  	v18 =	vld.idx.msk [tilespmem:v19+s21+$0x0], $0xffff;
	_ =	sdelay $0x2  }
0x58: {  	v19 =	vor.u32 v8, v17;
	_ =	sdelay $0x1  }
0x59: {  	v18 =	vadd.f32 v18, v16;
	_ =	sdelay $0x1  }
0x5a: {  	[tilespmem:s8+$0x5070] =	vst v18  }
0x5b: {  	v18 =	vld.idx.msk [tilespmem:v19+s21+$0x0], $0xffff;
	_ =	sdelay $0x2  }
0x5c: {  	v19 =	vor.u32 v9, v17;
	_ =	sdelay $0x1  }
0x5d: {  	v18 =	vadd.f32 v18, v16;
	_ =	sdelay $0x1  }
0x5e: {  	[tilespmem:s8+$0x5400] =	vst v18  }
0x5f: {  	v18 =	vld.idx.msk [tilespmem:v19+s21+$0x0], $0xffff;
	_ =	sdelay $0x2  }
0x60: {  	v19 =	vor.u32 v10, v17;
	_ =	sdelay $0x1  }
0x61: {  	v18 =	vadd.f32 v18, v16;
	_ =	sdelay $0x1  }
0x62: {  	[tilespmem:s8+$0x5410] =	vst v18  }
0x63: {  	v18 =	vld.idx.msk [tilespmem:v19+s21+$0x0], $0xffff;
	_ =	sdelay $0x2  }
0x64: {  	v19 =	vor.u32 v11, v17;
	_ =	sdelay $0x1  }
0x65: {  	v18 =	vadd.f32 v18, v16;
	_ =	sdelay $0x1  }
0x66: {  	[tilespmem:s8+$0x5420] =	vst v18  }
0x67: {  	v18 =	vld.idx.msk [tilespmem:v19+s21+$0x0], $0xffff;
	_ =	sdelay $0x2  }
0x68: {  	v19 =	vor.u32 v12, v17;
	_ =	sdelay $0x1  }
0x69: {  	v18 =	vadd.f32 v18, v16;
	_ =	sdelay $0x1  }
0x6a: {  	[tilespmem:s8+$0x5430] =	vst v18  }
0x6b: {  	v18 =	vld.idx.msk [tilespmem:v19+s21+$0x0], $0xffff;
	_ =	sdelay $0x2  }
0x6c: {  	v19 =	vor.u32 v13, v17;
	_ =	sdelay $0x1  }
0x6d: {  	v18 =	vadd.f32 v18, v16;
	_ =	sdelay $0x1  }
0x6e: {  	[tilespmem:s8+$0x5440] =	vst v18  }
0x6f: {  	v18 =	vld.idx.msk [tilespmem:v19+s21+$0x0], $0xffff;
	_ =	sdelay $0x2  }
0x70: {  	v19 =	vor.u32 v14, v17;
	_ =	sdelay $0x1  }
0x71: {  	v18 =	vadd.f32 v18, v16;
	_ =	sdelay $0x1  }
0x72: {  	[tilespmem:s8+$0x5450] =	vst v18  }
0x73: {  	v18 =	vld.idx.msk [tilespmem:v19+s21+$0x0], $0xffff;
	_ =	sdelay $0x2  }
0x74: {  	v17 =	vor.u32 v15, v17;
	_ =	sdelay $0x1  }
0x75: {  	v18 =	vadd.f32 v18, v16;
	_ =	sdelay $0x1  }
0x76: {  	s20 =	simm.s32 $0x1;
	[tilespmem:s8+$0x5460] =	vst v18  }
0x77: {  	s23 =	simm.s32 $0x2;
	s7 =	simm.s32 $0x0;
	s1 =	simm.s32 $0x0;
	v18 =	vld.idx.msk [tilespmem:v17+s21+$0x0], $0xffff;
	v17 =	vmov s20  }
.LBB2_5:
0x78: {  	p0 =	sne.s32 s23, $0x3F;
	v17 =	vand.u32 $0x3F, v17  }
0x79: {  	s24 =	sadd.s32 s20, s17;
	s20 =	smov.u32 s23;
	v17 =	vbroadcast v17, $0x0  }
0x7a: {  	v19 =	vmov s24  }
0x7b: {  	v20 =	vor.u32 v0, v17  }
0x7c: {  	v16 =	vadd.f32 v18, v16;
	_ =	sdelay $0x1  }
0x7d: {  	[tilespmem:s8+$0x5470] =	vst v16  }
0x7e: {  	v16 =	vld.idx.msk [tilespmem:v19+s18+$0x0], $0xffff  }
0x7f: {  	v18 =	vld.idx.msk [tilespmem:v20+s21+$0x0], $0xffff;
	_ =	sdelay $0x3  }
0x80: {  	v19 =	vor.u32 v1, v17  }
0x81: {  	s7 =	sadd.s32 $0x80, s7;
	s1 =	sadd.s32 $0x100, s1  }
0x82: {  	s24 =	sand.u32 $0x380, s7;
	s8 =	sand.u32 $0x3800, s1;
	v18 =	vadd.f32 v18, v16  }
0x83: {  	s8 =	sor.u32 s24, s8  }
0x84: {  	[tilespmem:s8+$0x5000] =	vst v18  }
0x85: {  	v18 =	vld.idx.msk [tilespmem:v19+s21+$0x0], $0xffff;
	_ =	sdelay $0x3  }
0x86: {  	v19 =	vor.u32 v2, v17;
	_ =	sdelay $0x1  }
0x87: {  	v18 =	vadd.f32 v18, v16;
	_ =	sdelay $0x1  }
0x88: {  	[tilespmem:s8+$0x5010] =	vst v18  }
0x89: {  	v18 =	vld.idx.msk [tilespmem:v19+s21+$0x0], $0xffff;
	_ =	sdelay $0x3  }
0x8a: {  	v19 =	vor.u32 v3, v17;
	_ =	sdelay $0x1  }
0x8b: {  	v18 =	vadd.f32 v18, v16;
	_ =	sdelay $0x1  }
0x8c: {  	[tilespmem:s8+$0x5020] =	vst v18  }
0x8d: {  	v18 =	vld.idx.msk [tilespmem:v19+s21+$0x0], $0xffff;
	_ =	sdelay $0x3  }
0x8e: {  	v19 =	vor.u32 v4, v17;
	_ =	sdelay $0x1  }
0x8f: {  	v18 =	vadd.f32 v18, v16;
	_ =	sdelay $0x1  }
0x90: {  	[tilespmem:s8+$0x5030] =	vst v18  }
0x91: {  	v18 =	vld.idx.msk [tilespmem:v19+s21+$0x0], $0xffff;
	_ =	sdelay $0x3  }
0x92: {  	v19 =	vor.u32 v5, v17;
	_ =	sdelay $0x1  }
0x93: {  	v18 =	vadd.f32 v18, v16;
	_ =	sdelay $0x1  }
0x94: {  	[tilespmem:s8+$0x5040] =	vst v18  }
0x95: {  	v18 =	vld.idx.msk [tilespmem:v19+s21+$0x0], $0xffff;
	_ =	sdelay $0x3  }
0x96: {  	v19 =	vor.u32 v6, v17;
	_ =	sdelay $0x1  }
0x97: {  	v18 =	vadd.f32 v18, v16;
	_ =	sdelay $0x1  }
0x98: {  	[tilespmem:s8+$0x5050] =	vst v18  }
0x99: {  	v18 =	vld.idx.msk [tilespmem:v19+s21+$0x0], $0xffff;
	_ =	sdelay $0x3  }
0x9a: {  	v19 =	vor.u32 v7, v17;
	_ =	sdelay $0x1  }
0x9b: {  	v18 =	vadd.f32 v18, v16;
	_ =	sdelay $0x1  }
0x9c: {  	[tilespmem:s8+$0x5060] =	vst v18  }
0x9d: {  	v18 =	vld.idx.msk [tilespmem:v19+s21+$0x0], $0xffff;
	_ =	sdelay $0x3  }
0x9e: {  	v19 =	vor.u32 v8, v17;
	_ =	sdelay $0x1  }
0x9f: {  	v18 =	vadd.f32 v18, v16;
	_ =	sdelay $0x1  }
0xa0: {  	[tilespmem:s8+$0x5070] =	vst v18  }
0xa1: {  	v18 =	vld.idx.msk [tilespmem:v19+s21+$0x0], $0xffff;
	_ =	sdelay $0x3  }
0xa2: {  	v19 =	vor.u32 v9, v17;
	_ =	sdelay $0x1  }
0xa3: {  	v18 =	vadd.f32 v18, v16;
	_ =	sdelay $0x1  }
0xa4: {  	[tilespmem:s8+$0x5400] =	vst v18  }
0xa5: {  	v18 =	vld.idx.msk [tilespmem:v19+s21+$0x0], $0xffff;
	_ =	sdelay $0x3  }
0xa6: {  	v19 =	vor.u32 v10, v17;
	_ =	sdelay $0x1  }
0xa7: {  	v18 =	vadd.f32 v18, v16;
	_ =	sdelay $0x1  }
0xa8: {  	[tilespmem:s8+$0x5410] =	vst v18  }
0xa9: {  	v18 =	vld.idx.msk [tilespmem:v19+s21+$0x0], $0xffff;
	_ =	sdelay $0x3  }
0xaa: {  	v19 =	vor.u32 v11, v17;
	_ =	sdelay $0x1  }
0xab: {  	v18 =	vadd.f32 v18, v16;
	_ =	sdelay $0x1  }
0xac: {  	[tilespmem:s8+$0x5420] =	vst v18  }
0xad: {  	v18 =	vld.idx.msk [tilespmem:v19+s21+$0x0], $0xffff;
	_ =	sdelay $0x3  }
0xae: {  	v19 =	vor.u32 v12, v17;
	_ =	sdelay $0x1  }
0xaf: {  	v18 =	vadd.f32 v18, v16;
	_ =	sdelay $0x1  }
0xb0: {  	[tilespmem:s8+$0x5430] =	vst v18  }
0xb1: {  	v18 =	vld.idx.msk [tilespmem:v19+s21+$0x0], $0xffff;
	_ =	sdelay $0x3  }
0xb2: {  	v19 =	vor.u32 v13, v17;
	_ =	sdelay $0x1  }
0xb3: {  	v18 =	vadd.f32 v18, v16;
	_ =	sdelay $0x1  }
0xb4: {  	[tilespmem:s8+$0x5440] =	vst v18  }
0xb5: {  	v18 =	vld.idx.msk [tilespmem:v19+s21+$0x0], $0xffff;
	_ =	sdelay $0x3  }
0xb6: {  	v19 =	vor.u32 v14, v17;
	_ =	sdelay $0x1  }
0xb7: {  	v18 =	vadd.f32 v18, v16;
	_ =	sdelay $0x1  }
0xb8: {  	[tilespmem:s8+$0x5450] =	vst v18  }
0xb9: {  	v18 =	vld.idx.msk [tilespmem:v19+s21+$0x0], $0xffff;
	_ =	sdelay $0x3  }
0xba: {  	v17 =	vor.u32 v15, v17;
	_ =	sdelay $0x1  }
.Ltmp5:
0xbb: {  	v18 =	vadd.f32 v18, v16;
	(pc) =	sbr.rel @p0 .LBB2_5-.Ltmp5, $4  }
0xbc: {  	_ = 	snop  }
0xbd: {  	[tilespmem:s8+$0x5460] =	vst v18  }
0xbe: {  	v18 =	vld.idx.msk [tilespmem:v17+s21+$0x0], $0xffff  }
0xbf: {  	s23 =	sadd.s32 $0x1, s23;
	v17 =	vmov s20  }
0xc0: {  	v17 =	vand.u32 $0x3F, v17  }
0xc1: {  	s20 =	sadd.s32 s20, s17;
	v17 =	vbroadcast v17, $0x0  }
0xc2: {  	v19 =	vmov s20  }
0xc3: {  	v20 =	vor.u32 v0, v17  }
0xc4: {  	v16 =	vadd.f32 v18, v16;
	_ =	sdelay $0x1  }
0xc5: {  	[tilespmem:s8+$0x5470] =	vst v16  }
0xc6: {  	v16 =	vld.idx.msk [tilespmem:v19+s18+$0x0], $0xffff  }
0xc7: {  	v49 =	vld.idx.msk [tilespmem:v20+s21+$0x0], $0xffff;
	_ =	sdelay $0x2  }
0xc8: {  	v50 =	vor.u32 v1, v17  }
0xc9: {  	s7 =	sadd.s32 $0x80, s7;
	s1 =	sadd.s32 $0x100, s1  }
0xca: {  	s1 =	sand.u32 $0x3800, s1;
	s7 =	sand.u32 $0x380, s7;
	v18 =	vadd.f32 v49, v16  }
0xcb: {  	s1 =	sor.u32 s7, s1  }
0xcc: {  	[tilespmem:s1+$0x5000] =	vst v18  }
0xcd: {  	v18 =	vld.idx.msk [tilespmem:v50+s21+$0x0], $0xffff;
	_ =	sdelay $0x2  }
0xce: {  	v51 =	vor.u32 v2, v17;
	_ =	sdelay $0x1  }
0xcf: {  	v18 =	vadd.f32 v18, v16;
	_ =	sdelay $0x1  }
0xd0: {  	[tilespmem:s1+$0x5010] =	vst v18  }
0xd1: {  	v18 =	vld.idx.msk [tilespmem:v51+s21+$0x0], $0xffff;
	_ =	sdelay $0x2  }
0xd2: {  	v52 =	vor.u32 v3, v17;
	_ =	sdelay $0x1  }
0xd3: {  	v18 =	vadd.f32 v18, v16;
	_ =	sdelay $0x1  }
0xd4: {  	[tilespmem:s1+$0x5020] =	vst v18  }
0xd5: {  	v18 =	vld.idx.msk [tilespmem:v52+s21+$0x0], $0xffff;
	_ =	sdelay $0x2  }
0xd6: {  	v53 =	vor.u32 v4, v17;
	_ =	sdelay $0x1  }
0xd7: {  	v18 =	vadd.f32 v18, v16;
	_ =	sdelay $0x1  }
0xd8: {  	[tilespmem:s1+$0x5030] =	vst v18  }
0xd9: {  	v18 =	vld.idx.msk [tilespmem:v53+s21+$0x0], $0xffff;
	_ =	sdelay $0x2  }
0xda: {  	v54 =	vor.u32 v5, v17;
	_ =	sdelay $0x1  }
0xdb: {  	v18 =	vadd.f32 v18, v16;
	_ =	sdelay $0x1  }
0xdc: {  	[tilespmem:s1+$0x5040] =	vst v18  }
0xdd: {  	v18 =	vld.idx.msk [tilespmem:v54+s21+$0x0], $0xffff;
	_ =	sdelay $0x2  }
0xde: {  	v55 =	vor.u32 v6, v17;
	_ =	sdelay $0x1  }
0xdf: {  	v18 =	vadd.f32 v18, v16;
	_ =	sdelay $0x1  }
0xe0: {  	[tilespmem:s1+$0x5050] =	vst v18  }
0xe1: {  	v18 =	vld.idx.msk [tilespmem:v55+s21+$0x0], $0xffff;
	_ =	sdelay $0x2  }
0xe2: {  	v56 =	vor.u32 v7, v17;
	_ =	sdelay $0x1  }
0xe3: {  	v18 =	vadd.f32 v18, v16;
	_ =	sdelay $0x1  }
0xe4: {  	[tilespmem:s1+$0x5060] =	vst v18  }
0xe5: {  	v18 =	vld.idx.msk [tilespmem:v56+s21+$0x0], $0xffff;
	_ =	sdelay $0x2  }
0xe6: {  	v57 =	vor.u32 v8, v17;
	_ =	sdelay $0x1  }
0xe7: {  	v18 =	vadd.f32 v18, v16;
	_ =	sdelay $0x1  }
0xe8: {  	[tilespmem:s1+$0x5070] =	vst v18  }
0xe9: {  	v18 =	vld.idx.msk [tilespmem:v57+s21+$0x0], $0xffff;
	_ =	sdelay $0x2  }
0xea: {  	v58 =	vor.u32 v9, v17;
	_ =	sdelay $0x1  }
0xeb: {  	v18 =	vadd.f32 v18, v16;
	_ =	sdelay $0x1  }
0xec: {  	[tilespmem:s1+$0x5400] =	vst v18  }
0xed: {  	v18 =	vld.idx.msk [tilespmem:v58+s21+$0x0], $0xffff;
	_ =	sdelay $0x2  }
0xee: {  	v59 =	vor.u32 v10, v17;
	_ =	sdelay $0x1  }
0xef: {  	v18 =	vadd.f32 v18, v16;
	_ =	sdelay $0x1  }
0xf0: {  	[tilespmem:s1+$0x5410] =	vst v18  }
0xf1: {  	v18 =	vld.idx.msk [tilespmem:v59+s21+$0x0], $0xffff;
	_ =	sdelay $0x2  }
0xf2: {  	v60 =	vor.u32 v11, v17;
	_ =	sdelay $0x1  }
0xf3: {  	v18 =	vadd.f32 v18, v16;
	_ =	sdelay $0x1  }
0xf4: {  	[tilespmem:s1+$0x5420] =	vst v18  }
0xf5: {  	v18 =	vld.idx.msk [tilespmem:v60+s21+$0x0], $0xffff;
	_ =	sdelay $0x2  }
0xf6: {  	v61 =	vor.u32 v12, v17;
	_ =	sdelay $0x1  }
0xf7: {  	v18 =	vadd.f32 v18, v16;
	_ =	sdelay $0x1  }
0xf8: {  	[tilespmem:s1+$0x5430] =	vst v18  }
0xf9: {  	v18 =	vld.idx.msk [tilespmem:v61+s21+$0x0], $0xffff;
	_ =	sdelay $0x2  }
0xfa: {  	v62 =	vor.u32 v13, v17;
	_ =	sdelay $0x1  }
0xfb: {  	v18 =	vadd.f32 v18, v16;
	_ =	sdelay $0x1  }
0xfc: {  	[tilespmem:s1+$0x5440] =	vst v18  }
0xfd: {  	v18 =	vld.idx.msk [tilespmem:v62+s21+$0x0], $0xffff;
	_ =	sdelay $0x2  }
0xfe: {  	v63 =	vor.u32 v14, v17;
	_ =	sdelay $0x1  }
0xff: {  	v18 =	vadd.f32 v18, v16;
	_ =	sdelay $0x1  }
0x100: {  	[tilespmem:s1+$0x5450] =	vst v18  }
0x101: {  	v18 =	vld.idx.msk [tilespmem:v63+s21+$0x0], $0xffff;
	_ =	sdelay $0x2  }
0x102: {  	v17 =	vor.u32 v15, v17;
	_ =	sdelay $0x1  }
0x103: {  	v18 =	vadd.f32 v18, v16;
	_ =	sdelay $0x1  }
0x104: {  	[tilespmem:s1+$0x5460] =	vst v18  }
0x105: {  	v17 =	vld.idx.msk [tilespmem:v17+s21+$0x0], $0xffff;
	_ =	sdelay $0x4  }
0x106: {  	v16 =	vadd.f32 v17, v16  }
0x107: {  	s4 =	sadd.s32 s3, s4;
	s7 =	rddreg [dreg:$0x1]  }
0x108: {  	s8 =	simm.s32 $0x5000;
	[tilespmem:s1+$0x5470] =	vst v16;
	s1 =	sadd.s32 s7, s4  }
0x109: {  	[hbm4b:s1+s2] =	stream.linear.scatter [tilespmem:s8], [sflag:$0x2], $0x800, $0x38;
	[tilespmem:$0xC200] =	vst v63  }
0x10a: {  	_ =	swait.ge [sflag:s19], $0x800  }
0x10b: {  	[sflag:s19] =	ssyncset.done $0x0  }
0x10c: {  	s23 =	simm.s32 $0x5800;
	s20 =	sadd.s32 s4, s9;
	[sflag:s19] =	ssyncadd.s32 $0xFFFFF800  }
0x10d: {  	[hbm4b:s20+s2] =	stream.linear.scatter [tilespmem:s23], [sflag:$0x2], $0x800, $0x38;
	[tilespmem:$0xC200] =	vst v63  }
0x10e: {  	_ =	swait.ge [sflag:s19], $0x800  }
0x10f: {  	[sflag:s19] =	ssyncset.done $0x0  }
0x110: {  	s24 =	sadd.s32 s4, s10;
	[sflag:s19] =	ssyncadd.s32 $0xFFFFF800  }
0x111: {  	[hbm4b:s24+s2] =	stream.linear.scatter [tilespmem:s25], [sflag:$0x2], $0x800, $0x38;
	[tilespmem:$0xC200] =	vst v63  }
0x112: {  	_ =	swait.ge [sflag:s19], $0x800  }
0x113: {  	[sflag:s19] =	ssyncset.done $0x0  }
0x114: {  	s7 =	sadd.s32 s4, s11;
	[sflag:s19] =	ssyncadd.s32 $0xFFFFF800  }
0x115: {  	[hbm4b:s7+s2] =	stream.linear.scatter [tilespmem:s26], [sflag:$0x2], $0x800, $0x38;
	[tilespmem:$0xC200] =	vst v63  }
0x116: {  	_ =	swait.ge [sflag:s19], $0x800  }
0x117: {  	[sflag:s19] =	ssyncset.done $0x0  }
0x118: {  	s8 =	sadd.s32 s4, s12;
	[sflag:s19] =	ssyncadd.s32 $0xFFFFF800  }
0x119: {  	[hbm4b:s8+s2] =	stream.linear.scatter [tilespmem:s28], [sflag:$0x2], $0x800, $0x38;
	[tilespmem:$0xC200] =	vst v63  }
0x11a: {  	_ =	swait.ge [sflag:s19], $0x800  }
0x11b: {  	[sflag:s19] =	ssyncset.done $0x0  }
0x11c: {  	s20 =	sadd.s32 s4, s13;
	[sflag:s19] =	ssyncadd.s32 $0xFFFFF800  }
0x11d: {  	[hbm4b:s20+s2] =	stream.linear.scatter [tilespmem:s29], [sflag:$0x2], $0x800, $0x38;
	[tilespmem:$0xC200] =	vst v63  }
0x11e: {  	_ =	swait.ge [sflag:s19], $0x800  }
0x11f: {  	[sflag:s19] =	ssyncset.done $0x0  }
0x120: {  	s23 =	sadd.s32 s4, s14;
	[sflag:s19] =	ssyncadd.s32 $0xFFFFF800  }
0x121: {  	[hbm4b:s23+s2] =	stream.linear.scatter [tilespmem:s30], [sflag:$0x2], $0x800, $0x38;
	[tilespmem:$0xC200] =	vst v63  }
0x122: {  	_ =	swait.ge [sflag:s19], $0x800  }
0x123: {  	s0 =	sadd.s32 $0x1, s0;
	[sflag:s19] =	ssyncset.done $0x0  }
0x124: {  	p0 =	sne.s32 s0, $0x10;
	s24 =	sadd.s32 s4, s15;
	[sflag:s19] =	ssyncadd.s32 $0xFFFFF800  }
0x125: {  	[hbm4b:s24+s2] =	stream.linear.scatter [tilespmem:s31], [sflag:$0x2], $0x800, $0x38;
	[tilespmem:$0xC200] =	vst v63  }
.Ltmp6:
0x126: {  	_ = 	snop;
	(pc) =	sbr.rel @p0 .LBB2_4-.Ltmp6, $4  }
.Ltmp7:
0x127: {  	_ = 	snop;
	(pc) =	sbr.rel @!p0 .LBB2_7-.Ltmp7, $4  }
0x128: {  	_ =	swait.ge [sflag:s19], $0x800  }
0x129: {  	[sflag:s19] =	ssyncset.done $0x0  }
0x12a: {  	[sflag:s19] =	ssyncadd.s32 $0xFFFFF800  }
0x12b: {  	_ = 	snop  }
.LBB2_9:
0x12c: {  	_ =	sfence.sel $0x180000  }
0x12d: {  	[bflag:$0x0] =	sbarrier.arrive $0xFFFF  }
0x12e: {  	_ =	strace $0x90000047  }
0x12f: {  	s0 =	stileid.u32;
	[bflag:$0x2] =	sbarrier.arrive $0xFFFF  }
0x130: {  	p0 =	sne.s32 s0, $0x0;
	s0 =	rddreg [dreg:$0x2]  }
0x131: {  	s0 =	sadd.s32 @!p0 $0x100000, s0  }
0x132: {  	[sflag:s0] =	ssyncadd.tile.s32 @!p0 $0x1;
	_ =	shalt  }
.Lfunc_end2:
_tile_overlayer_lowered:
.L_overlay_start_2:
0x133: {  	(tag) =	ssettag $0x2  }
0x134: {  	s0 =	rddreg [dreg:$0x0];
	s2 =	stileid.u32  }
0x135: {  	s1 =	rddreg [dreg:$0x1];
	p0 =	sne.s32 s2, $0x0  }
0x136: {  	s3 =	rddreg [dreg:$0x2];
	[bflag:$0x3] =	sbarrier.arrive $0xFFFF;
	s2 =	simm.s32 @!p0 $0x1C02  }
0x137: {  	[timem:s3], [sflag:s2] =	dma.local @!p0 [hbm:s0], s1  }
0x138: {  	s0 =	simm.s32 @!p0 $0x2  }
0x139: {  	_ =	swait.ge @!p0 [sflag:s0], s1  }
0x13a: {  	s1 =	ssub.s32 @!p0 $0x0, s1;
	[sflag:s0] =	ssyncset.done @!p0 $0x0  }
0x13b: {  	[sflag:s0] =	ssyncadd.s32 @!p0 s1  }
0x13c: {  	[bflag:$0x3] =	sbarrier.arrive $0xFFFF  }
0x13d: {  	_ =	shalt  }

</sc_bundles>
